<compile_context>
chip_gen: v7x
topology: tpu7x:2x2x1
jax: 0.10.2.dev20260603
libtpu: 0.0.44.dev20260713+nightly
codegen_flags: <defaults>
</compile_context>

<pallas_src>
import functools

import jax
import jax.numpy as jnp
from jax import lax
from jax.experimental import pallas as pl
from jax.experimental.pallas import tpu as pltpu
from jax.experimental.pallas import tpu_sc as plsc

N_FIELDS = 26
VOCAB = 100000
EMBED_DIM = 32
BATCH = 16384

NUM_CORES = 2
NUM_SUBCORES = 16
IDX_CHUNK = 4096
N_IDX_CHUNKS = BATCH // IDX_CHUNK

SPLIT = 50048
TAIL_START = 99872
TAIL = 128
HALF_LENS = (SPLIT, VOCAB - SPLIT)
HALF_DMA_LENS = (SPLIT, 49920)

_mesh = plsc.VectorSubcoreMesh(
    core_axis_name="c", subcore_axis_name="s",
    num_cores=NUM_CORES, num_subcores=NUM_SUBCORES)


@functools.partial(
    pl.kernel,
    mesh=_mesh,
    out_type=jax.ShapeDtypeStruct((EMBED_DIM, BATCH), jnp.float32),
    scratch_types=[
        pltpu.VMEM((SPLIT,), jnp.float32),
        pltpu.VMEM((SPLIT,), jnp.float32),
        pltpu.VMEM((2, IDX_CHUNK), jnp.int32),
        pltpu.VMEM((BATCH,), jnp.float32),
        pltpu.VMEM((N_FIELDS, TAIL), jnp.float32),
        pltpu.VMEM_SHARED((2, BATCH), jnp.int32),
        pltpu.SemaphoreType.DMA,
        pltpu.SemaphoreType.DMA,
        pltpu.SemaphoreType.DMA,
        pltpu.SemaphoreType.DMA,
    ],
    compiler_params=pltpu.CompilerParams(use_tc_tiling_on_sc=True,
                                         needs_layout_passes=False),
)
def _emb_sum_t(tt_hbm, xt_hbm, tail_hbm, out_hbm, stripe0_v, stripe1_v,
               idx_v, acc_v, tail_v, idx_sh, sem_s0, sem_s1, sem_i, sem_b):
    sid = lax.axis_index("s")
    w = sid * NUM_CORES + lax.axis_index("c")
    d = w
    sems = (sem_s0, sem_s1)
    stripes = (stripe0_v, stripe1_v)

    def stripe_copies(f, h):
        off = h * SPLIT
        n = HALF_DMA_LENS[h]
        return [pltpu.make_async_copy(
            tt_hbm.at[f, :, pl.ds(off, n)].at[d],
            stripes[h].at[pl.ds(0, n)], sems[h])]

    def issue_stripe(f, h):
        for c in stripe_copies(f, h):
            c.start()

    def wait_stripe(f, h):
        for c in stripe_copies(f, h):
            c.wait()

    @pl.when(sid == 0)
    def _():
        pltpu.async_copy(xt_hbm.at[0], idx_sh.at[0], sem_b)

    def pull_copy(f, h, k):
        return pltpu.make_async_copy(
            idx_sh.at[f % 2, pl.ds(k * IDX_CHUNK, IDX_CHUNK)],
            idx_v.at[k % 2], sem_i)

    def half_pass(f, h):
        base = h * SPLIT
        bound = HALF_LENS[h]

        for k in range(N_IDX_CHUNKS):
            if k + 1 < N_IDX_CHUNKS:
                pull_copy(f, h, k + 1).start()
            pull_copy(f, h, k).wait()

            def vreg_body(i, k=k):
                iv = idx_v[k % 2, pl.ds(i * 16, 16)] - base
                m = plsc.bitcast(iv, jnp.uint32) < jnp.uint32(bound)
                g = plsc.load_gather(stripes[h], [iv], mask=m)
                g = jnp.where(m, g, jnp.float32(0.0))
                o = k * IDX_CHUNK + i * 16
                acc_v[pl.ds(o, 16)] = acc_v[pl.ds(o, 16)] + g

            plsc.parallel_loop(0, IDX_CHUNK // 16, unroll=8)(vreg_body)

    def zero_body(i):
        acc_v[pl.ds(i * 16, 16)] = jnp.zeros((16,), jnp.float32)

    plsc.parallel_loop(0, BATCH // 16, unroll=8)(zero_body)

    pltpu.sync_copy(tail_hbm.at[:, pl.ds(d * TAIL, TAIL)], tail_v)

    issue_stripe(0, 0)

    def field_body(f, carry):
        issue_stripe(f, 1)

        @pl.when(sid == 0)
        def _():
            pltpu.make_async_copy(xt_hbm.at[f], idx_sh.at[f % 2],
                                  sem_b).wait()

        plsc.subcore_barrier()

        @pl.when((sid == 0) & (f + 1 < N_FIELDS))
        def _():
            pltpu.async_copy(xt_hbm.at[f + 1], idx_sh.at[(f + 1) % 2], sem_b)

        wait_stripe(f, 0)
        pull_copy(f, 0, 0).start()
        half_pass(f, 0)

        wait_stripe(f, 1)

        @pl.when(f + 1 < N_FIELDS)
        def _():
            issue_stripe(f + 1, 0)

        for k in range(TAIL // 16):
            stripes[1][pl.ds(TAIL_START - SPLIT + k * 16, 16)] = (
                tail_v[f, pl.ds(k * 16, 16)])

        pull_copy(f, 1, 0).start()
        half_pass(f, 1)
        return carry

    lax.fori_loop(0, N_FIELDS, field_body, 0)

    pltpu.sync_copy(acc_v, out_hbm.at[d])


def kernel(x, tables):
    tt = tables.transpose(0, 2, 1)
    xt = x.T
    tail = tables[:, TAIL_START:, :].transpose(0, 2, 1)
    tail = tail.reshape(N_FIELDS, EMBED_DIM * TAIL)
    out_t = _emb_sum_t(tt, xt, tail)
    return out_t.T

# --- scband reference (transcript-rebuilt; emitter-appended) ---
"""Pipeline reference for scband-label-embedding-6562710028420 (READ-ONLY COPY).

The authoritative reference and input builder live on the scoring server;
editing this copy changes nothing except your own understanding.
"""

import jax, jax.numpy as jnp
import numpy as np

N_FIELDS = 26
VOCAB = 100000
EMBED_DIM = 32
BATCH = 16384


def setup_inputs(seed: int = 0) -> dict:
    key = jax.random.key(seed)
    k1, k2 = jax.random.split(key)
    x = jax.random.randint(k1, (BATCH, N_FIELDS), 0, VOCAB, dtype=jnp.int32)
    # 26 embedding tables, each [VOCAB, EMBED_DIM], stacked into one array
    tables = jax.random.normal(k2, (N_FIELDS, VOCAB, EMBED_DIM), dtype=jnp.float32)
    return {"x": x, "tables": tables}


def reference(x, tables):
    # For each field idx: embeddings[idx] = tables[idx][x[:, idx]]  -> [BATCH, EMBED_DIM]
    # Vectorized over the field dimension with vmap.
    emb = jax.vmap(lambda t, idx: jnp.take(t, idx, axis=0))(tables, x.T)  # [N_FIELDS, BATCH, EMBED_DIM]
    # LabelCombinationType.ADD: torch.stack(embeddings).sum(dim=0)
    out = emb.sum(axis=0)  # [BATCH, EMBED_DIM]
    return out

if __name__ == "__main__":
    import jax
    _d = setup_inputs()
    print(jax.jit(kernel)(*tuple(_d.values())))

</pallas_src>

<mosaic_0001>
#map = affine_map<(d0, d1) -> (0, 0, 0)>
#map1 = affine_map<(d0, d1) -> (0, 0)>
module attributes {stable_mosaic.version = 14 : i64} {
  func.func @_emb_sum_t(%arg0: i32, %arg1: i32, %arg2: memref<26x32x100000xf32, #tpu.memory_space<hbm>>, %arg3: memref<26x16384xi32, #tpu.memory_space<hbm>>, %arg4: memref<26x4096xf32, #tpu.memory_space<hbm>>, %arg5: memref<32x16384xf32, #tpu.memory_space<hbm>>, %arg6: memref<50048xf32, #tpu.memory_space<vmem>>, %arg7: memref<50048xf32, #tpu.memory_space<vmem>>, %arg8: memref<2x4096xi32, #tpu.memory_space<vmem>>, %arg9: memref<16384xf32, #tpu.memory_space<vmem>>, %arg10: memref<26x128xf32, #tpu.memory_space<vmem>>, %arg11: memref<2x16384xi32, #tpu.memory_space<vmem_shared>>, %arg12: memref<!tpu.dma_semaphore, #tpu.memory_space<semaphore_mem>>, %arg13: memref<!tpu.dma_semaphore, #tpu.memory_space<semaphore_mem>>, %arg14: memref<!tpu.dma_semaphore, #tpu.memory_space<semaphore_mem>>, %arg15: memref<!tpu.dma_semaphore, #tpu.memory_space<semaphore_mem>>) attributes {dimension_semantics = [#tpu.dimension_semantics<core_parallel>, #tpu.dimension_semantics<subcore_parallel>], iteration_bounds = array<i64: 2, 16>, scalar_prefetch = 0 : i64, scratch_operands = 10 : i64, tpu.core_type = #tpu.core_type<sc_vector_subcore>, window_params = [{transform_indices = #map}, {transform_indices = #map1}, {transform_indices = #map1}, {transform_indices = #map1}]} {
    %mul3A = arith.constant 2 : i32
    %mul3A_0 = arith.muli %arg1, %mul3A : i32
    %add3A = arith.addi %mul3A_0, %arg0 : i32
    %eq3A = arith.constant 0 : i32
    %eq3A_1 = arith.cmpi eq, %arg1, %eq3A : i32
    %convert_element_type3A = arith.extui %eq3A_1 : i1 to i32
    %cond3A = arith.constant 0 : i32
    %cond3A_2 = arith.cmpi ne, %convert_element_type3A, %cond3A : i32
    scf.if %cond3A_2 {
      %dma_start3A_30 = arith.constant 0 : i32
      %dma_start3A_31 = arith.constant 0 : i32
      %dma_start3A_32 = arith.constant 0 : i32
      %dma_start3A_33 = tpu.memref_slice %arg11[%dma_start3A_31, %dma_start3A_32] : memref<2x16384xi32, #tpu.memory_space<vmem_shared>> -> memref<1x16384xi32, #tpu.memory_space<vmem_shared>>
      %dma_start3A_34 = tpu.memref_squeeze %dma_start3A_33 : memref<1x16384xi32, #tpu.memory_space<vmem_shared>> -> memref<16384xi32, #tpu.memory_space<vmem_shared>>
      %dma_start3A_35 = arith.constant 0 : i32
      %dma_start3A_36 = tpu.memref_slice %arg3[%dma_start3A_30, %dma_start3A_35] : memref<26x16384xi32, #tpu.memory_space<hbm>> -> memref<1x16384xi32, #tpu.memory_space<hbm>>
      %dma_start3A_37 = tpu.memref_squeeze %dma_start3A_36 : memref<1x16384xi32, #tpu.memory_space<hbm>> -> memref<16384xi32, #tpu.memory_space<hbm>>
      tpu.enqueue_dma source(%dma_start3A_37 : memref<16384xi32, #tpu.memory_space<hbm>>) target(%dma_start3A_34 : memref<16384xi32, #tpu.memory_space<vmem_shared>>) target_semaphore(%arg15 : memref<!tpu.dma_semaphore, #tpu.memory_space<semaphore_mem>>)
    } else {
    }
    %parallel_loop3A = arith.constant 0 : i32
    %parallel_loop3A_3 = arith.constant 1024 : i32
    %parallel_loop3A_4 = arith.constant 1 : i32
    scf.for %parallel_loop3A_30 = %parallel_loop3A to %parallel_loop3A_3 step %parallel_loop3A_4  : i32 {
      %parallel_loop3A_31 = arith.constant 0.000000e+00 : f32
      %parallel_loop3A_32 = vector.broadcast %parallel_loop3A_31 : f32 to vector<16xf32>
      %parallel_loop3A_33 = arith.constant 16 : i32
      %parallel_loop3A_34 = arith.muli %parallel_loop3A_30, %parallel_loop3A_33 : i32
      %parallel_loop3A_35 = arith.index_cast %parallel_loop3A_34 : i32 to index
      %parallel_loop3A_36 = tpu.vector_load %arg9[%parallel_loop3A_35] {strides = array<i32>} : memref<16384xf32, #tpu.memory_space<vmem>>, vector<16xf32>,
      tpu.vector_store %arg9[%parallel_loop3A_35], %parallel_loop3A_32 {strides = array<i32>} : memref<16384xf32, #tpu.memory_space<vmem>>, vector<16xf32>,
    } {sc.loop_unroll_factor = 8 : i64, sc.parallel_access}
    %mul3A_5 = arith.constant 128 : i32
    %mul3A_6 = arith.muli %add3A, %mul3A_5 : i32
    "tpu.region"() ({
      %run_scoped3A = tpu.sem_alloc : memref<!tpu.dma_semaphore, #tpu.memory_space<semaphore_mem>>
      %dma_start3A_30 = arith.constant 0 : i32
      %dma_start3A_31 = tpu.memref_slice %arg4[%dma_start3A_30, %mul3A_6] : memref<26x4096xf32, #tpu.memory_space<hbm>> -> memref<26x128xf32, #tpu.memory_space<hbm>>
      %dma_start3A_32 = arith.constant 0 : i32
      %dma_start3A_33 = tpu.memref_slice %arg4[%dma_start3A_32, %mul3A_6] : memref<26x4096xf32, #tpu.memory_space<hbm>> -> memref<26x128xf32, #tpu.memory_space<hbm>>
      tpu.enqueue_dma source(%dma_start3A_33 : memref<26x128xf32, #tpu.memory_space<hbm>>) target(%arg10 : memref<26x128xf32, #tpu.memory_space<vmem>>) target_semaphore(%run_scoped3A : memref<!tpu.dma_semaphore, #tpu.memory_space<semaphore_mem>>)
      %dma_wait3A = arith.constant 0 : i32
      %dma_wait3A_34 = tpu.memref_slice %arg4[%dma_wait3A, %mul3A_6] : memref<26x4096xf32, #tpu.memory_space<hbm>> -> memref<26x128xf32, #tpu.memory_space<hbm>>
      %dma_wait3A_35 = arith.constant 0 : i32
      %dma_wait3A_36 = tpu.memref_slice %arg4[%dma_wait3A_35, %mul3A_6] : memref<26x4096xf32, #tpu.memory_space<hbm>> -> memref<26x128xf32, #tpu.memory_space<hbm>>
      tpu.wait_dma2 semaphore(%run_scoped3A : memref<!tpu.dma_semaphore, #tpu.memory_space<semaphore_mem>>) src(%dma_wait3A_36 : memref<26x128xf32, #tpu.memory_space<hbm>>) dst(%arg10 : memref<26x128xf32, #tpu.memory_space<vmem>>)
      tpu.yield
    }) : () -> ()
    %dma_start3A = arith.constant 0 : i32
    %dma_start3A_7 = arith.constant 0 : i32
    %dma_start3A_8 = tpu.memref_slice %arg6[%dma_start3A_7] : memref<50048xf32, #tpu.memory_space<vmem>> -> memref<50048xf32, #tpu.memory_space<vmem>>
    %dma_start3A_9 = arith.constant 0 : i32
    %dma_start3A_10 = arith.constant 0 : i32
    %dma_start3A_11 = tpu.memref_slice %arg2[%dma_start3A, %dma_start3A_9, %dma_start3A_10] : memref<26x32x100000xf32, #tpu.memory_space<hbm>> -> memref<1x32x50048xf32, #tpu.memory_space<hbm>>
    %dma_start3A_12 = tpu.memref_squeeze %dma_start3A_11 : memref<1x32x50048xf32, #tpu.memory_space<hbm>> -> memref<32x50048xf32, #tpu.memory_space<hbm>>
    %dma_start3A_13 = arith.constant 0 : i32
    %dma_start3A_14 = tpu.memref_slice %dma_start3A_12[%add3A, %dma_start3A_13] : memref<32x50048xf32, #tpu.memory_space<hbm>> -> memref<1x50048xf32, #tpu.memory_space<hbm>>
    %dma_start3A_15 = tpu.memref_squeeze %dma_start3A_14 : memref<1x50048xf32, #tpu.memory_space<hbm>> -> memref<50048xf32, #tpu.memory_space<hbm>>
    %dma_start3A_16 = arith.constant 0 : i32
    %dma_start3A_17 = tpu.memref_slice %arg6[%dma_start3A_16] : memref<50048xf32, #tpu.memory_space<vmem>> -> memref<50048xf32, #tpu.memory_space<vmem>>
    %dma_start3A_18 = arith.constant 0 : i32
    %dma_start3A_19 = arith.constant 0 : i32
    %dma_start3A_20 = tpu.memref_slice %arg2[%dma_start3A, %dma_start3A_18, %dma_start3A_19] : memref<26x32x100000xf32, #tpu.memory_space<hbm>> -> memref<1x32x50048xf32, #tpu.memory_space<hbm>>
    %dma_start3A_21 = tpu.memref_squeeze %dma_start3A_20 : memref<1x32x50048xf32, #tpu.memory_space<hbm>> -> memref<32x50048xf32, #tpu.memory_space<hbm>>
    %dma_start3A_22 = arith.constant 0 : i32
    %dma_start3A_23 = tpu.memref_slice %dma_start3A_21[%add3A, %dma_start3A_22] : memref<32x50048xf32, #tpu.memory_space<hbm>> -> memref<1x50048xf32, #tpu.memory_space<hbm>>
    %dma_start3A_24 = tpu.memref_squeeze %dma_start3A_23 : memref<1x50048xf32, #tpu.memory_space<hbm>> -> memref<50048xf32, #tpu.memory_space<hbm>>
    tpu.enqueue_dma source(%dma_start3A_24 : memref<50048xf32, #tpu.memory_space<hbm>>) target(%dma_start3A_17 : memref<50048xf32, #tpu.memory_space<vmem>>) target_semaphore(%arg12 : memref<!tpu.dma_semaphore, #tpu.memory_space<semaphore_mem>>)
    %scan3A = arith.constant 0 : i32
    %scan3A_25 = arith.constant 0 : i32
    %scan3A_26 = arith.constant 26 : i32
    %scan3A_27 = arith.addi %scan3A_25, %scan3A_26 : i32
    %scan3A_28 = arith.constant 1 : i32
    scf.for %scan3A_30 = %scan3A_25 to %scan3A_27 step %scan3A_28  : i32 {
      %dma_start3A_31 = arith.constant 0 : i32
      %dma_start3A_32 = tpu.memref_slice %arg7[%dma_start3A_31] : memref<50048xf32, #tpu.memory_space<vmem>> -> memref<49920xf32, #tpu.memory_space<vmem>>
      %dma_start3A_33 = arith.constant 0 : i32
      %dma_start3A_34 = arith.constant 50048 : i32
      %dma_start3A_35 = tpu.memref_slice %arg2[%scan3A_30, %dma_start3A_33, %dma_start3A_34] : memref<26x32x100000xf32, #tpu.memory_space<hbm>> -> memref<1x32x49920xf32, #tpu.memory_space<hbm>>
      %dma_start3A_36 = tpu.memref_squeeze %dma_start3A_35 : memref<1x32x49920xf32, #tpu.memory_space<hbm>> -> memref<32x49920xf32, #tpu.memory_space<hbm>>
      %dma_start3A_37 = arith.constant 0 : i32
      %dma_start3A_38 = tpu.memref_slice %dma_start3A_36[%add3A, %dma_start3A_37] : memref<32x49920xf32, #tpu.memory_space<hbm>> -> memref<1x49920xf32, #tpu.memory_space<hbm>>
      %dma_start3A_39 = tpu.memref_squeeze %dma_start3A_38 : memref<1x49920xf32, #tpu.memory_space<hbm>> -> memref<49920xf32, #tpu.memory_space<hbm>>
      %dma_start3A_40 = arith.constant 0 : i32
      %dma_start3A_41 = tpu.memref_slice %arg7[%dma_start3A_40] : memref<50048xf32, #tpu.memory_space<vmem>> -> memref<49920xf32, #tpu.memory_space<vmem>>
      %dma_start3A_42 = arith.constant 0 : i32
      %dma_start3A_43 = arith.constant 50048 : i32
      %dma_start3A_44 = tpu.memref_slice %arg2[%scan3A_30, %dma_start3A_42, %dma_start3A_43] : memref<26x32x100000xf32, #tpu.memory_space<hbm>> -> memref<1x32x49920xf32, #tpu.memory_space<hbm>>
      %dma_start3A_45 = tpu.memref_squeeze %dma_start3A_44 : memref<1x32x49920xf32, #tpu.memory_space<hbm>> -> memref<32x49920xf32, #tpu.memory_space<hbm>>
      %dma_start3A_46 = arith.constant 0 : i32
      %dma_start3A_47 = tpu.memref_slice %dma_start3A_45[%add3A, %dma_start3A_46] : memref<32x49920xf32, #tpu.memory_space<hbm>> -> memref<1x49920xf32, #tpu.memory_space<hbm>>
      %dma_start3A_48 = tpu.memref_squeeze %dma_start3A_47 : memref<1x49920xf32, #tpu.memory_space<hbm>> -> memref<49920xf32, #tpu.memory_space<hbm>>
      tpu.enqueue_dma source(%dma_start3A_48 : memref<49920xf32, #tpu.memory_space<hbm>>) target(%dma_start3A_41 : memref<49920xf32, #tpu.memory_space<vmem>>) target_semaphore(%arg13 : memref<!tpu.dma_semaphore, #tpu.memory_space<semaphore_mem>>)
      %eq3A_49 = arith.constant 0 : i32
      %eq3A_50 = arith.cmpi eq, %arg1, %eq3A_49 : i32
      %convert_element_type3A_51 = arith.extui %eq3A_50 : i1 to i32
      %cond3A_52 = arith.constant 0 : i32
      %cond3A_53 = arith.cmpi ne, %convert_element_type3A_51, %cond3A_52 : i32
      scf.if %cond3A_53 {
        %jit3A_626 = arith.constant 2 : i32
        %eq3A_627 = arith.constant 0 : i32
        %eq3A_628 = arith.cmpi eq, %jit3A_626, %eq3A_627 : i32
        %jit3A_629 = arith.constant 1 : i32
        %select_n3A_630 = arith.select %eq3A_628, %jit3A_629, %jit3A_626 : i32
        %rem3A_631 = arith.remsi %scan3A_30, %select_n3A_630 : i32
        %ne3A_632 = arith.constant 0 : i32
        %ne3A_633 = arith.cmpi ne, %rem3A_631, %ne3A_632 : i32
        %lt3A_634 = arith.constant 0 : i32
        %lt3A_635 = arith.cmpi slt, %rem3A_631, %lt3A_634 : i32
        %lt3A_636 = arith.constant 0 : i32
        %lt3A_637 = arith.cmpi slt, %select_n3A_630, %lt3A_636 : i32
        %ne3A_638 = arith.xori %lt3A_635, %lt3A_637 : i1
        %and3A_639 = arith.andi %ne3A_638, %ne3A_633 : i1
        %add3A_640 = arith.addi %rem3A_631, %select_n3A_630 : i32
        %select_n3A_641 = arith.select %and3A_639, %add3A_640, %rem3A_631 : i32
        %dma_wait3A_642 = arith.constant 0 : i32
        %dma_wait3A_643 = tpu.memref_slice %arg11[%select_n3A_641, %dma_wait3A_642] : memref<2x16384xi32, #tpu.memory_space<vmem_shared>> -> memref<1x16384xi32, #tpu.memory_space<vmem_shared>>
        %dma_wait3A_644 = tpu.memref_squeeze %dma_wait3A_643 : memref<1x16384xi32, #tpu.memory_space<vmem_shared>> -> memref<16384xi32, #tpu.memory_space<vmem_shared>>
        %dma_wait3A_645 = arith.constant 0 : i32
        %dma_wait3A_646 = tpu.memref_slice %arg3[%scan3A_30, %dma_wait3A_645] : memref<26x16384xi32, #tpu.memory_space<hbm>> -> memref<1x16384xi32, #tpu.memory_space<hbm>>
        %dma_wait3A_647 = tpu.memref_squeeze %dma_wait3A_646 : memref<1x16384xi32, #tpu.memory_space<hbm>> -> memref<16384xi32, #tpu.memory_space<hbm>>
        tpu.wait_dma2 semaphore(%arg15 : memref<!tpu.dma_semaphore, #tpu.memory_space<semaphore_mem>>) src(%dma_wait3A_647 : memref<16384xi32, #tpu.memory_space<hbm>>) dst(%dma_wait3A_644 : memref<16384xi32, #tpu.memory_space<vmem_shared>>)
      } else {
      }
      %barrier3A = arith.constant 0 : index
      tpu.barrier barrier_id(%barrier3A)
      %eq3A_54 = arith.constant 0 : i32
      %eq3A_55 = arith.cmpi eq, %arg1, %eq3A_54 : i32
      %add3A_56 = arith.constant 1 : i32
      %add3A_57 = arith.addi %scan3A_30, %add3A_56 : i32
      %lt3A = arith.constant 26 : i32
      %lt3A_58 = arith.cmpi slt, %add3A_57, %lt3A : i32
      %and3A = arith.andi %eq3A_55, %lt3A_58 : i1
      %convert_element_type3A_59 = arith.extui %and3A : i1 to i32
      %cond3A_60 = arith.constant 0 : i32
      %cond3A_61 = arith.cmpi ne, %convert_element_type3A_59, %cond3A_60 : i32
      scf.if %cond3A_61 {
        %add3A_626 = arith.constant 1 : i32
        %add3A_627 = arith.addi %scan3A_30, %add3A_626 : i32
        %add3A_628 = arith.constant 1 : i32
        %add3A_629 = arith.addi %scan3A_30, %add3A_628 : i32
        %jit3A_630 = arith.constant 2 : i32
        %eq3A_631 = arith.constant 0 : i32
        %eq3A_632 = arith.cmpi eq, %jit3A_630, %eq3A_631 : i32
        %jit3A_633 = arith.constant 1 : i32
        %select_n3A_634 = arith.select %eq3A_632, %jit3A_633, %jit3A_630 : i32
        %rem3A_635 = arith.remsi %add3A_629, %select_n3A_634 : i32
        %ne3A_636 = arith.constant 0 : i32
        %ne3A_637 = arith.cmpi ne, %rem3A_635, %ne3A_636 : i32
        %lt3A_638 = arith.constant 0 : i32
        %lt3A_639 = arith.cmpi slt, %rem3A_635, %lt3A_638 : i32
        %lt3A_640 = arith.constant 0 : i32
        %lt3A_641 = arith.cmpi slt, %select_n3A_634, %lt3A_640 : i32
        %ne3A_642 = arith.xori %lt3A_639, %lt3A_641 : i1
        %and3A_643 = arith.andi %ne3A_642, %ne3A_637 : i1
        %add3A_644 = arith.addi %rem3A_635, %select_n3A_634 : i32
        %select_n3A_645 = arith.select %and3A_643, %add3A_644, %rem3A_635 : i32
        %dma_start3A_646 = arith.constant 0 : i32
        %dma_start3A_647 = tpu.memref_slice %arg11[%select_n3A_645, %dma_start3A_646] : memref<2x16384xi32, #tpu.memory_space<vmem_shared>> -> memref<1x16384xi32, #tpu.memory_space<vmem_shared>>
        %dma_start3A_648 = tpu.memref_squeeze %dma_start3A_647 : memref<1x16384xi32, #tpu.memory_space<vmem_shared>> -> memref<16384xi32, #tpu.memory_space<vmem_shared>>
        %dma_start3A_649 = arith.constant 0 : i32
        %dma_start3A_650 = tpu.memref_slice %arg3[%add3A_627, %dma_start3A_649] : memref<26x16384xi32, #tpu.memory_space<hbm>> -> memref<1x16384xi32, #tpu.memory_space<hbm>>
        %dma_start3A_651 = tpu.memref_squeeze %dma_start3A_650 : memref<1x16384xi32, #tpu.memory_space<hbm>> -> memref<16384xi32, #tpu.memory_space<hbm>>
        tpu.enqueue_dma source(%dma_start3A_651 : memref<16384xi32, #tpu.memory_space<hbm>>) target(%dma_start3A_648 : memref<16384xi32, #tpu.memory_space<vmem_shared>>) target_semaphore(%arg15 : memref<!tpu.dma_semaphore, #tpu.memory_space<semaphore_mem>>)
      } else {
      }
      %dma_wait3A = arith.constant 0 : i32
      %dma_wait3A_62 = tpu.memref_slice %arg6[%dma_wait3A] : memref<50048xf32, #tpu.memory_space<vmem>> -> memref<50048xf32, #tpu.memory_space<vmem>>
      %dma_wait3A_63 = arith.constant 0 : i32
      %dma_wait3A_64 = arith.constant 0 : i32
      %dma_wait3A_65 = tpu.memref_slice %arg2[%scan3A_30, %dma_wait3A_63, %dma_wait3A_64] : memref<26x32x100000xf32, #tpu.memory_space<hbm>> -> memref<1x32x50048xf32, #tpu.memory_space<hbm>>
      %dma_wait3A_66 = tpu.memref_squeeze %dma_wait3A_65 : memref<1x32x50048xf32, #tpu.memory_space<hbm>> -> memref<32x50048xf32, #tpu.memory_space<hbm>>
      %dma_wait3A_67 = arith.constant 0 : i32
      %dma_wait3A_68 = tpu.memref_slice %dma_wait3A_66[%add3A, %dma_wait3A_67] : memref<32x50048xf32, #tpu.memory_space<hbm>> -> memref<1x50048xf32, #tpu.memory_space<hbm>>
      %dma_wait3A_69 = tpu.memref_squeeze %dma_wait3A_68 : memref<1x50048xf32, #tpu.memory_space<hbm>> -> memref<50048xf32, #tpu.memory_space<hbm>>
      %dma_wait3A_70 = arith.constant 0 : i32
      %dma_wait3A_71 = tpu.memref_slice %arg6[%dma_wait3A_70] : memref<50048xf32, #tpu.memory_space<vmem>> -> memref<50048xf32, #tpu.memory_space<vmem>>
      %dma_wait3A_72 = arith.constant 0 : i32
      %dma_wait3A_73 = arith.constant 0 : i32
      %dma_wait3A_74 = tpu.memref_slice %arg2[%scan3A_30, %dma_wait3A_72, %dma_wait3A_73] : memref<26x32x100000xf32, #tpu.memory_space<hbm>> -> memref<1x32x50048xf32, #tpu.memory_space<hbm>>
      %dma_wait3A_75 = tpu.memref_squeeze %dma_wait3A_74 : memref<1x32x50048xf32, #tpu.memory_space<hbm>> -> memref<32x50048xf32, #tpu.memory_space<hbm>>
      %dma_wait3A_76 = arith.constant 0 : i32
      %dma_wait3A_77 = tpu.memref_slice %dma_wait3A_75[%add3A, %dma_wait3A_76] : memref<32x50048xf32, #tpu.memory_space<hbm>> -> memref<1x50048xf32, #tpu.memory_space<hbm>>
      %dma_wait3A_78 = tpu.memref_squeeze %dma_wait3A_77 : memref<1x50048xf32, #tpu.memory_space<hbm>> -> memref<50048xf32, #tpu.memory_space<hbm>>
      tpu.wait_dma2 semaphore(%arg12 : memref<!tpu.dma_semaphore, #tpu.memory_space<semaphore_mem>>) src(%dma_wait3A_78 : memref<50048xf32, #tpu.memory_space<hbm>>) dst(%dma_wait3A_71 : memref<50048xf32, #tpu.memory_space<vmem>>)
      %jit3A = arith.constant 2 : i32
      %eq3A_79 = arith.constant 0 : i32
      %eq3A_80 = arith.cmpi eq, %jit3A, %eq3A_79 : i32
      %jit3A_81 = arith.constant 1 : i32
      %select_n3A = arith.select %eq3A_80, %jit3A_81, %jit3A : i32
      %rem3A = arith.remsi %scan3A_30, %select_n3A : i32
      %ne3A = arith.constant 0 : i32
      %ne3A_82 = arith.cmpi ne, %rem3A, %ne3A : i32
      %lt3A_83 = arith.constant 0 : i32
      %lt3A_84 = arith.cmpi slt, %rem3A, %lt3A_83 : i32
      %lt3A_85 = arith.constant 0 : i32
      %lt3A_86 = arith.cmpi slt, %select_n3A, %lt3A_85 : i32
      %ne3A_87 = arith.xori %lt3A_84, %lt3A_86 : i1
      %and3A_88 = arith.andi %ne3A_87, %ne3A_82 : i1
      %add3A_89 = arith.addi %rem3A, %select_n3A : i32
      %select_n3A_90 = arith.select %and3A_88, %add3A_89, %rem3A : i32
      %dma_start3A_91 = arith.constant 0 : i32
      %dma_start3A_92 = arith.constant 0 : i32
      %dma_start3A_93 = tpu.memref_slice %arg8[%dma_start3A_91, %dma_start3A_92] : memref<2x4096xi32, #tpu.memory_space<vmem>> -> memref<1x4096xi32, #tpu.memory_space<vmem>>
      %dma_start3A_94 = tpu.memref_squeeze %dma_start3A_93 : memref<1x4096xi32, #tpu.memory_space<vmem>> -> memref<4096xi32, #tpu.memory_space<vmem>>
      %dma_start3A_95 = arith.constant 0 : i32
      %dma_start3A_96 = tpu.memref_slice %arg11[%select_n3A_90, %dma_start3A_95] : memref<2x16384xi32, #tpu.memory_space<vmem_shared>> -> memref<1x4096xi32, #tpu.memory_space<vmem_shared>>
      %dma_start3A_97 = tpu.memref_squeeze %dma_start3A_96 : memref<1x4096xi32, #tpu.memory_space<vmem_shared>> -> memref<4096xi32, #tpu.memory_space<vmem_shared>>
      %dma_start3A_98 = arith.constant 0 : i32
      %dma_start3A_99 = tpu.memref_slice %arg8[%dma_start3A_91, %dma_start3A_98] : memref<2x4096xi32, #tpu.memory_space<vmem>> -> memref<1x4096xi32, #tpu.memory_space<vmem>>
      %dma_start3A_100 = tpu.memref_squeeze %dma_start3A_99 : memref<1x4096xi32, #tpu.memory_space<vmem>> -> memref<4096xi32, #tpu.memory_space<vmem>>
      %dma_start3A_101 = arith.constant 0 : i32
      %dma_start3A_102 = tpu.memref_slice %arg11[%select_n3A_90, %dma_start3A_101] : memref<2x16384xi32, #tpu.memory_space<vmem_shared>> -> memref<1x4096xi32, #tpu.memory_space<vmem_shared>>
      %dma_start3A_103 = tpu.memref_squeeze %dma_start3A_102 : memref<1x4096xi32, #tpu.memory_space<vmem_shared>> -> memref<4096xi32, #tpu.memory_space<vmem_shared>>
      tpu.enqueue_dma source(%dma_start3A_103 : memref<4096xi32, #tpu.memory_space<vmem_shared>>) target(%dma_start3A_100 : memref<4096xi32, #tpu.memory_space<vmem>>) target_semaphore(%arg14 : memref<!tpu.dma_semaphore, #tpu.memory_space<semaphore_mem>>)
      %jit3A_104 = arith.constant 2 : i32
      %eq3A_105 = arith.constant 0 : i32
      %eq3A_106 = arith.cmpi eq, %jit3A_104, %eq3A_105 : i32
      %jit3A_107 = arith.constant 1 : i32
      %select_n3A_108 = arith.select %eq3A_106, %jit3A_107, %jit3A_104 : i32
      %rem3A_109 = arith.remsi %scan3A_30, %select_n3A_108 : i32
      %ne3A_110 = arith.constant 0 : i32
      %ne3A_111 = arith.cmpi ne, %rem3A_109, %ne3A_110 : i32
      %lt3A_112 = arith.constant 0 : i32
      %lt3A_113 = arith.cmpi slt, %rem3A_109, %lt3A_112 : i32
      %lt3A_114 = arith.constant 0 : i32
      %lt3A_115 = arith.cmpi slt, %select_n3A_108, %lt3A_114 : i32
      %ne3A_116 = arith.xori %lt3A_113, %lt3A_115 : i1
      %and3A_117 = arith.andi %ne3A_116, %ne3A_111 : i1
      %add3A_118 = arith.addi %rem3A_109, %select_n3A_108 : i32
      %select_n3A_119 = arith.select %and3A_117, %add3A_118, %rem3A_109 : i32
      %dma_start3A_120 = arith.constant 1 : i32
      %dma_start3A_121 = arith.constant 0 : i32
      %dma_start3A_122 = tpu.memref_slice %arg8[%dma_start3A_120, %dma_start3A_121] : memref<2x4096xi32, #tpu.memory_space<vmem>> -> memref<1x4096xi32, #tpu.memory_space<vmem>>
      %dma_start3A_123 = tpu.memref_squeeze %dma_start3A_122 : memref<1x4096xi32, #tpu.memory_space<vmem>> -> memref<4096xi32, #tpu.memory_space<vmem>>
      %dma_start3A_124 = arith.constant 4096 : i32
      %dma_start3A_125 = tpu.memref_slice %arg11[%select_n3A_119, %dma_start3A_124] : memref<2x16384xi32, #tpu.memory_space<vmem_shared>> -> memref<1x4096xi32, #tpu.memory_space<vmem_shared>>
      %dma_start3A_126 = tpu.memref_squeeze %dma_start3A_125 : memref<1x4096xi32, #tpu.memory_space<vmem_shared>> -> memref<4096xi32, #tpu.memory_space<vmem_shared>>
      %dma_start3A_127 = arith.constant 0 : i32
      %dma_start3A_128 = tpu.memref_slice %arg8[%dma_start3A_120, %dma_start3A_127] : memref<2x4096xi32, #tpu.memory_space<vmem>> -> memref<1x4096xi32, #tpu.memory_space<vmem>>
      %dma_start3A_129 = tpu.memref_squeeze %dma_start3A_128 : memref<1x4096xi32, #tpu.memory_space<vmem>> -> memref<4096xi32, #tpu.memory_space<vmem>>
      %dma_start3A_130 = arith.constant 4096 : i32
      %dma_start3A_131 = tpu.memref_slice %arg11[%select_n3A_119, %dma_start3A_130] : memref<2x16384xi32, #tpu.memory_space<vmem_shared>> -> memref<1x4096xi32, #tpu.memory_space<vmem_shared>>
      %dma_start3A_132 = tpu.memref_squeeze %dma_start3A_131 : memref<1x4096xi32, #tpu.memory_space<vmem_shared>> -> memref<4096xi32, #tpu.memory_space<vmem_shared>>
      tpu.enqueue_dma source(%dma_start3A_132 : memref<4096xi32, #tpu.memory_space<vmem_shared>>) target(%dma_start3A_129 : memref<4096xi32, #tpu.memory_space<vmem>>) target_semaphore(%arg14 : memref<!tpu.dma_semaphore, #tpu.memory_space<semaphore_mem>>)
      %jit3A_133 = arith.constant 2 : i32
      %eq3A_134 = arith.constant 0 : i32
      %eq3A_135 = arith.cmpi eq, %jit3A_133, %eq3A_134 : i32
      %jit3A_136 = arith.constant 1 : i32
      %select_n3A_137 = arith.select %eq3A_135, %jit3A_136, %jit3A_133 : i32
      %rem3A_138 = arith.remsi %scan3A_30, %select_n3A_137 : i32
      %ne3A_139 = arith.constant 0 : i32
      %ne3A_140 = arith.cmpi ne, %rem3A_138, %ne3A_139 : i32
      %lt3A_141 = arith.constant 0 : i32
      %lt3A_142 = arith.cmpi slt, %rem3A_138, %lt3A_141 : i32
      %lt3A_143 = arith.constant 0 : i32
      %lt3A_144 = arith.cmpi slt, %select_n3A_137, %lt3A_143 : i32
      %ne3A_145 = arith.xori %lt3A_142, %lt3A_144 : i1
      %and3A_146 = arith.andi %ne3A_145, %ne3A_140 : i1
      %add3A_147 = arith.addi %rem3A_138, %select_n3A_137 : i32
      %select_n3A_148 = arith.select %and3A_146, %add3A_147, %rem3A_138 : i32
      %dma_wait3A_149 = arith.constant 0 : i32
      %dma_wait3A_150 = arith.constant 0 : i32
      %dma_wait3A_151 = tpu.memref_slice %arg8[%dma_wait3A_149, %dma_wait3A_150] : memref<2x4096xi32, #tpu.memory_space<vmem>> -> memref<1x4096xi32, #tpu.memory_space<vmem>>
      %dma_wait3A_152 = tpu.memref_squeeze %dma_wait3A_151 : memref<1x4096xi32, #tpu.memory_space<vmem>> -> memref<4096xi32, #tpu.memory_space<vmem>>
      %dma_wait3A_153 = arith.constant 0 : i32
      %dma_wait3A_154 = tpu.memref_slice %arg11[%select_n3A_148, %dma_wait3A_153] : memref<2x16384xi32, #tpu.memory_space<vmem_shared>> -> memref<1x4096xi32, #tpu.memory_space<vmem_shared>>
      %dma_wait3A_155 = tpu.memref_squeeze %dma_wait3A_154 : memref<1x4096xi32, #tpu.memory_space<vmem_shared>> -> memref<4096xi32, #tpu.memory_space<vmem_shared>>
      %dma_wait3A_156 = arith.constant 0 : i32
      %dma_wait3A_157 = tpu.memref_slice %arg8[%dma_wait3A_149, %dma_wait3A_156] : memref<2x4096xi32, #tpu.memory_space<vmem>> -> memref<1x4096xi32, #tpu.memory_space<vmem>>
      %dma_wait3A_158 = tpu.memref_squeeze %dma_wait3A_157 : memref<1x4096xi32, #tpu.memory_space<vmem>> -> memref<4096xi32, #tpu.memory_space<vmem>>
      %dma_wait3A_159 = arith.constant 0 : i32
      %dma_wait3A_160 = tpu.memref_slice %arg11[%select_n3A_148, %dma_wait3A_159] : memref<2x16384xi32, #tpu.memory_space<vmem_shared>> -> memref<1x4096xi32, #tpu.memory_space<vmem_shared>>
      %dma_wait3A_161 = tpu.memref_squeeze %dma_wait3A_160 : memref<1x4096xi32, #tpu.memory_space<vmem_shared>> -> memref<4096xi32, #tpu.memory_space<vmem_shared>>
      tpu.wait_dma2 semaphore(%arg14 : memref<!tpu.dma_semaphore, #tpu.memory_space<semaphore_mem>>) src(%dma_wait3A_161 : memref<4096xi32, #tpu.memory_space<vmem_shared>>) dst(%dma_wait3A_158 : memref<4096xi32, #tpu.memory_space<vmem>>)
      %parallel_loop3A_162 = arith.constant 0 : i32
      %parallel_loop3A_163 = arith.constant 256 : i32
      %parallel_loop3A_164 = arith.constant 1 : i32
      scf.for %parallel_loop3A_626 = %parallel_loop3A_162 to %parallel_loop3A_163 step %parallel_loop3A_164  : i32 {
        %parallel_loop3A_627 = arith.constant 16 : i32
        %parallel_loop3A_628 = arith.muli %parallel_loop3A_626, %parallel_loop3A_627 : i32
        %parallel_loop3A_629 = arith.constant 0 : i32
        %parallel_loop3A_630 = arith.index_cast %parallel_loop3A_629 : i32 to index
        %parallel_loop3A_631 = arith.index_cast %parallel_loop3A_628 : i32 to index
        %parallel_loop3A_632 = tpu.vector_load %arg8[%parallel_loop3A_630, %parallel_loop3A_631] {strides = array<i32>} : memref<2x4096xi32, #tpu.memory_space<vmem>>, vector<16xi32>,
        %parallel_loop3A_633 = arith.constant 0 : i32
        %parallel_loop3A_634 = vector.broadcast %parallel_loop3A_633 : i32 to vector<16xi32>
        %parallel_loop3A_635 = arith.subi %parallel_loop3A_632, %parallel_loop3A_634 : vector<16xi32>
        %parallel_loop3A_636 = vector.bitcast %parallel_loop3A_635 : vector<16xi32> to vector<16xi32>
        %parallel_loop3A_637 = arith.constant 50048 : i32
        %parallel_loop3A_638 = vector.broadcast %parallel_loop3A_637 : i32 to vector<16xi32>
        %parallel_loop3A_639 = arith.cmpi ult, %parallel_loop3A_636, %parallel_loop3A_638 : vector<16xi32>
        %parallel_loop3A_640 = tpu.vector_load_idx %arg6[%parallel_loop3A_635] masked %parallel_loop3A_639 : memref<50048xf32, #tpu.memory_space<vmem>>[vector<16xi32>], vector<16xf32>, vector<16xi1>
        %parallel_loop3A_641 = arith.constant 0.000000e+00 : f32
        %parallel_loop3A_642 = vector.broadcast %parallel_loop3A_641 : f32 to vector<16xf32>
        %parallel_loop3A_643 = arith.select %parallel_loop3A_639, %parallel_loop3A_640, %parallel_loop3A_642 : vector<16xi1>, vector<16xf32>
        %parallel_loop3A_644 = arith.constant 16 : i32
        %parallel_loop3A_645 = arith.muli %parallel_loop3A_626, %parallel_loop3A_644 : i32
        %parallel_loop3A_646 = arith.constant 0 : i32
        %parallel_loop3A_647 = arith.addi %parallel_loop3A_646, %parallel_loop3A_645 : i32
        %parallel_loop3A_648 = arith.index_cast %parallel_loop3A_647 : i32 to index
        %parallel_loop3A_649 = tpu.vector_load %arg9[%parallel_loop3A_648] {strides = array<i32>} : memref<16384xf32, #tpu.memory_space<vmem>>, vector<16xf32>,
        %parallel_loop3A_650 = arith.addf %parallel_loop3A_649, %parallel_loop3A_643 : vector<16xf32>
        %parallel_loop3A_651 = arith.index_cast %parallel_loop3A_647 : i32 to index
        %parallel_loop3A_652 = tpu.vector_load %arg9[%parallel_loop3A_651] {strides = array<i32>} : memref<16384xf32, #tpu.memory_space<vmem>>, vector<16xf32>,
        tpu.vector_store %arg9[%parallel_loop3A_651], %parallel_loop3A_650 {strides = array<i32>} : memref<16384xf32, #tpu.memory_space<vmem>>, vector<16xf32>,
      } {sc.loop_unroll_factor = 8 : i64, sc.parallel_access}
      %jit3A_165 = arith.constant 2 : i32
      %eq3A_166 = arith.constant 0 : i32
      %eq3A_167 = arith.cmpi eq, %jit3A_165, %eq3A_166 : i32
      %jit3A_168 = arith.constant 1 : i32
      %select_n3A_169 = arith.select %eq3A_167, %jit3A_168, %jit3A_165 : i32
      %rem3A_170 = arith.remsi %scan3A_30, %select_n3A_169 : i32
      %ne3A_171 = arith.constant 0 : i32
      %ne3A_172 = arith.cmpi ne, %rem3A_170, %ne3A_171 : i32
      %lt3A_173 = arith.constant 0 : i32
      %lt3A_174 = arith.cmpi slt, %rem3A_170, %lt3A_173 : i32
      %lt3A_175 = arith.constant 0 : i32
      %lt3A_176 = arith.cmpi slt, %select_n3A_169, %lt3A_175 : i32
      %ne3A_177 = arith.xori %lt3A_174, %lt3A_176 : i1
      %and3A_178 = arith.andi %ne3A_177, %ne3A_172 : i1
      %add3A_179 = arith.addi %rem3A_170, %select_n3A_169 : i32
      %select_n3A_180 = arith.select %and3A_178, %add3A_179, %rem3A_170 : i32
      %dma_start3A_181 = arith.constant 0 : i32
      %dma_start3A_182 = arith.constant 0 : i32
      %dma_start3A_183 = tpu.memref_slice %arg8[%dma_start3A_181, %dma_start3A_182] : memref<2x4096xi32, #tpu.memory_space<vmem>> -> memref<1x4096xi32, #tpu.memory_space<vmem>>
      %dma_start3A_184 = tpu.memref_squeeze %dma_start3A_183 : memref<1x4096xi32, #tpu.memory_space<vmem>> -> memref<4096xi32, #tpu.memory_space<vmem>>
      %dma_start3A_185 = arith.constant 8192 : i32
      %dma_start3A_186 = tpu.memref_slice %arg11[%select_n3A_180, %dma_start3A_185] : memref<2x16384xi32, #tpu.memory_space<vmem_shared>> -> memref<1x4096xi32, #tpu.memory_space<vmem_shared>>
      %dma_start3A_187 = tpu.memref_squeeze %dma_start3A_186 : memref<1x4096xi32, #tpu.memory_space<vmem_shared>> -> memref<4096xi32, #tpu.memory_space<vmem_shared>>
      %dma_start3A_188 = arith.constant 0 : i32
      %dma_start3A_189 = tpu.memref_slice %arg8[%dma_start3A_181, %dma_start3A_188] : memref<2x4096xi32, #tpu.memory_space<vmem>> -> memref<1x4096xi32, #tpu.memory_space<vmem>>
      %dma_start3A_190 = tpu.memref_squeeze %dma_start3A_189 : memref<1x4096xi32, #tpu.memory_space<vmem>> -> memref<4096xi32, #tpu.memory_space<vmem>>
      %dma_start3A_191 = arith.constant 8192 : i32
      %dma_start3A_192 = tpu.memref_slice %arg11[%select_n3A_180, %dma_start3A_191] : memref<2x16384xi32, #tpu.memory_space<vmem_shared>> -> memref<1x4096xi32, #tpu.memory_space<vmem_shared>>
      %dma_start3A_193 = tpu.memref_squeeze %dma_start3A_192 : memref<1x4096xi32, #tpu.memory_space<vmem_shared>> -> memref<4096xi32, #tpu.memory_space<vmem_shared>>
      tpu.enqueue_dma source(%dma_start3A_193 : memref<4096xi32, #tpu.memory_space<vmem_shared>>) target(%dma_start3A_190 : memref<4096xi32, #tpu.memory_space<vmem>>) target_semaphore(%arg14 : memref<!tpu.dma_semaphore, #tpu.memory_space<semaphore_mem>>)
      %jit3A_194 = arith.constant 2 : i32
      %eq3A_195 = arith.constant 0 : i32
      %eq3A_196 = arith.cmpi eq, %jit3A_194, %eq3A_195 : i32
      %jit3A_197 = arith.constant 1 : i32
      %select_n3A_198 = arith.select %eq3A_196, %jit3A_197, %jit3A_194 : i32
      %rem3A_199 = arith.remsi %scan3A_30, %select_n3A_198 : i32
      %ne3A_200 = arith.constant 0 : i32
      %ne3A_201 = arith.cmpi ne, %rem3A_199, %ne3A_200 : i32
      %lt3A_202 = arith.constant 0 : i32
      %lt3A_203 = arith.cmpi slt, %rem3A_199, %lt3A_202 : i32
      %lt3A_204 = arith.constant 0 : i32
      %lt3A_205 = arith.cmpi slt, %select_n3A_198, %lt3A_204 : i32
      %ne3A_206 = arith.xori %lt3A_203, %lt3A_205 : i1
      %and3A_207 = arith.andi %ne3A_206, %ne3A_201 : i1
      %add3A_208 = arith.addi %rem3A_199, %select_n3A_198 : i32
      %select_n3A_209 = arith.select %and3A_207, %add3A_208, %rem3A_199 : i32
      %dma_wait3A_210 = arith.constant 1 : i32
      %dma_wait3A_211 = arith.constant 0 : i32
      %dma_wait3A_212 = tpu.memref_slice %arg8[%dma_wait3A_210, %dma_wait3A_211] : memref<2x4096xi32, #tpu.memory_space<vmem>> -> memref<1x4096xi32, #tpu.memory_space<vmem>>
      %dma_wait3A_213 = tpu.memref_squeeze %dma_wait3A_212 : memref<1x4096xi32, #tpu.memory_space<vmem>> -> memref<4096xi32, #tpu.memory_space<vmem>>
      %dma_wait3A_214 = arith.constant 4096 : i32
      %dma_wait3A_215 = tpu.memref_slice %arg11[%select_n3A_209, %dma_wait3A_214] : memref<2x16384xi32, #tpu.memory_space<vmem_shared>> -> memref<1x4096xi32, #tpu.memory_space<vmem_shared>>
      %dma_wait3A_216 = tpu.memref_squeeze %dma_wait3A_215 : memref<1x4096xi32, #tpu.memory_space<vmem_shared>> -> memref<4096xi32, #tpu.memory_space<vmem_shared>>
      %dma_wait3A_217 = arith.constant 0 : i32
      %dma_wait3A_218 = tpu.memref_slice %arg8[%dma_wait3A_210, %dma_wait3A_217] : memref<2x4096xi32, #tpu.memory_space<vmem>> -> memref<1x4096xi32, #tpu.memory_space<vmem>>
      %dma_wait3A_219 = tpu.memref_squeeze %dma_wait3A_218 : memref<1x4096xi32, #tpu.memory_space<vmem>> -> memref<4096xi32, #tpu.memory_space<vmem>>
      %dma_wait3A_220 = arith.constant 4096 : i32
      %dma_wait3A_221 = tpu.memref_slice %arg11[%select_n3A_209, %dma_wait3A_220] : memref<2x16384xi32, #tpu.memory_space<vmem_shared>> -> memref<1x4096xi32, #tpu.memory_space<vmem_shared>>
      %dma_wait3A_222 = tpu.memref_squeeze %dma_wait3A_221 : memref<1x4096xi32, #tpu.memory_space<vmem_shared>> -> memref<4096xi32, #tpu.memory_space<vmem_shared>>
      tpu.wait_dma2 semaphore(%arg14 : memref<!tpu.dma_semaphore, #tpu.memory_space<semaphore_mem>>) src(%dma_wait3A_222 : memref<4096xi32, #tpu.memory_space<vmem_shared>>) dst(%dma_wait3A_219 : memref<4096xi32, #tpu.memory_space<vmem>>)
      %parallel_loop3A_223 = arith.constant 0 : i32
      %parallel_loop3A_224 = arith.constant 256 : i32
      %parallel_loop3A_225 = arith.constant 1 : i32
      scf.for %parallel_loop3A_626 = %parallel_loop3A_223 to %parallel_loop3A_224 step %parallel_loop3A_225  : i32 {
        %parallel_loop3A_627 = arith.constant 16 : i32
        %parallel_loop3A_628 = arith.muli %parallel_loop3A_626, %parallel_loop3A_627 : i32
        %parallel_loop3A_629 = arith.constant 1 : i32
        %parallel_loop3A_630 = arith.index_cast %parallel_loop3A_629 : i32 to index
        %parallel_loop3A_631 = arith.index_cast %parallel_loop3A_628 : i32 to index
        %parallel_loop3A_632 = tpu.vector_load %arg8[%parallel_loop3A_630, %parallel_loop3A_631] {strides = array<i32>} : memref<2x4096xi32, #tpu.memory_space<vmem>>, vector<16xi32>,
        %parallel_loop3A_633 = arith.constant 0 : i32
        %parallel_loop3A_634 = vector.broadcast %parallel_loop3A_633 : i32 to vector<16xi32>
        %parallel_loop3A_635 = arith.subi %parallel_loop3A_632, %parallel_loop3A_634 : vector<16xi32>
        %parallel_loop3A_636 = vector.bitcast %parallel_loop3A_635 : vector<16xi32> to vector<16xi32>
        %parallel_loop3A_637 = arith.constant 50048 : i32
        %parallel_loop3A_638 = vector.broadcast %parallel_loop3A_637 : i32 to vector<16xi32>
        %parallel_loop3A_639 = arith.cmpi ult, %parallel_loop3A_636, %parallel_loop3A_638 : vector<16xi32>
        %parallel_loop3A_640 = tpu.vector_load_idx %arg6[%parallel_loop3A_635] masked %parallel_loop3A_639 : memref<50048xf32, #tpu.memory_space<vmem>>[vector<16xi32>], vector<16xf32>, vector<16xi1>
        %parallel_loop3A_641 = arith.constant 0.000000e+00 : f32
        %parallel_loop3A_642 = vector.broadcast %parallel_loop3A_641 : f32 to vector<16xf32>
        %parallel_loop3A_643 = arith.select %parallel_loop3A_639, %parallel_loop3A_640, %parallel_loop3A_642 : vector<16xi1>, vector<16xf32>
        %parallel_loop3A_644 = arith.constant 16 : i32
        %parallel_loop3A_645 = arith.muli %parallel_loop3A_626, %parallel_loop3A_644 : i32
        %parallel_loop3A_646 = arith.constant 4096 : i32
        %parallel_loop3A_647 = arith.addi %parallel_loop3A_646, %parallel_loop3A_645 : i32
        %parallel_loop3A_648 = arith.index_cast %parallel_loop3A_647 : i32 to index
        %parallel_loop3A_649 = tpu.vector_load %arg9[%parallel_loop3A_648] {strides = array<i32>} : memref<16384xf32, #tpu.memory_space<vmem>>, vector<16xf32>,
        %parallel_loop3A_650 = arith.addf %parallel_loop3A_649, %parallel_loop3A_643 : vector<16xf32>
        %parallel_loop3A_651 = arith.index_cast %parallel_loop3A_647 : i32 to index
        %parallel_loop3A_652 = tpu.vector_load %arg9[%parallel_loop3A_651] {strides = array<i32>} : memref<16384xf32, #tpu.memory_space<vmem>>, vector<16xf32>,
        tpu.vector_store %arg9[%parallel_loop3A_651], %parallel_loop3A_650 {strides = array<i32>} : memref<16384xf32, #tpu.memory_space<vmem>>, vector<16xf32>,
      } {sc.loop_unroll_factor = 8 : i64, sc.parallel_access}
      %jit3A_226 = arith.constant 2 : i32
      %eq3A_227 = arith.constant 0 : i32
      %eq3A_228 = arith.cmpi eq, %jit3A_226, %eq3A_227 : i32
      %jit3A_229 = arith.constant 1 : i32
      %select_n3A_230 = arith.select %eq3A_228, %jit3A_229, %jit3A_226 : i32
      %rem3A_231 = arith.remsi %scan3A_30, %select_n3A_230 : i32
      %ne3A_232 = arith.constant 0 : i32
      %ne3A_233 = arith.cmpi ne, %rem3A_231, %ne3A_232 : i32
      %lt3A_234 = arith.constant 0 : i32
      %lt3A_235 = arith.cmpi slt, %rem3A_231, %lt3A_234 : i32
      %lt3A_236 = arith.constant 0 : i32
      %lt3A_237 = arith.cmpi slt, %select_n3A_230, %lt3A_236 : i32
      %ne3A_238 = arith.xori %lt3A_235, %lt3A_237 : i1
      %and3A_239 = arith.andi %ne3A_238, %ne3A_233 : i1
      %add3A_240 = arith.addi %rem3A_231, %select_n3A_230 : i32
      %select_n3A_241 = arith.select %and3A_239, %add3A_240, %rem3A_231 : i32
      %dma_start3A_242 = arith.constant 1 : i32
      %dma_start3A_243 = arith.constant 0 : i32
      %dma_start3A_244 = tpu.memref_slice %arg8[%dma_start3A_242, %dma_start3A_243] : memref<2x4096xi32, #tpu.memory_space<vmem>> -> memref<1x4096xi32, #tpu.memory_space<vmem>>
      %dma_start3A_245 = tpu.memref_squeeze %dma_start3A_244 : memref<1x4096xi32, #tpu.memory_space<vmem>> -> memref<4096xi32, #tpu.memory_space<vmem>>
      %dma_start3A_246 = arith.constant 12288 : i32
      %dma_start3A_247 = tpu.memref_slice %arg11[%select_n3A_241, %dma_start3A_246] : memref<2x16384xi32, #tpu.memory_space<vmem_shared>> -> memref<1x4096xi32, #tpu.memory_space<vmem_shared>>
      %dma_start3A_248 = tpu.memref_squeeze %dma_start3A_247 : memref<1x4096xi32, #tpu.memory_space<vmem_shared>> -> memref<4096xi32, #tpu.memory_space<vmem_shared>>
      %dma_start3A_249 = arith.constant 0 : i32
      %dma_start3A_250 = tpu.memref_slice %arg8[%dma_start3A_242, %dma_start3A_249] : memref<2x4096xi32, #tpu.memory_space<vmem>> -> memref<1x4096xi32, #tpu.memory_space<vmem>>
      %dma_start3A_251 = tpu.memref_squeeze %dma_start3A_250 : memref<1x4096xi32, #tpu.memory_space<vmem>> -> memref<4096xi32, #tpu.memory_space<vmem>>
      %dma_start3A_252 = arith.constant 12288 : i32
      %dma_start3A_253 = tpu.memref_slice %arg11[%select_n3A_241, %dma_start3A_252] : memref<2x16384xi32, #tpu.memory_space<vmem_shared>> -> memref<1x4096xi32, #tpu.memory_space<vmem_shared>>
      %dma_start3A_254 = tpu.memref_squeeze %dma_start3A_253 : memref<1x4096xi32, #tpu.memory_space<vmem_shared>> -> memref<4096xi32, #tpu.memory_space<vmem_shared>>
      tpu.enqueue_dma source(%dma_start3A_254 : memref<4096xi32, #tpu.memory_space<vmem_shared>>) target(%dma_start3A_251 : memref<4096xi32, #tpu.memory_space<vmem>>) target_semaphore(%arg14 : memref<!tpu.dma_semaphore, #tpu.memory_space<semaphore_mem>>)
      %jit3A_255 = arith.constant 2 : i32
      %eq3A_256 = arith.constant 0 : i32
      %eq3A_257 = arith.cmpi eq, %jit3A_255, %eq3A_256 : i32
      %jit3A_258 = arith.constant 1 : i32
      %select_n3A_259 = arith.select %eq3A_257, %jit3A_258, %jit3A_255 : i32
      %rem3A_260 = arith.remsi %scan3A_30, %select_n3A_259 : i32
      %ne3A_261 = arith.constant 0 : i32
      %ne3A_262 = arith.cmpi ne, %rem3A_260, %ne3A_261 : i32
      %lt3A_263 = arith.constant 0 : i32
      %lt3A_264 = arith.cmpi slt, %rem3A_260, %lt3A_263 : i32
      %lt3A_265 = arith.constant 0 : i32
      %lt3A_266 = arith.cmpi slt, %select_n3A_259, %lt3A_265 : i32
      %ne3A_267 = arith.xori %lt3A_264, %lt3A_266 : i1
      %and3A_268 = arith.andi %ne3A_267, %ne3A_262 : i1
      %add3A_269 = arith.addi %rem3A_260, %select_n3A_259 : i32
      %select_n3A_270 = arith.select %and3A_268, %add3A_269, %rem3A_260 : i32
      %dma_wait3A_271 = arith.constant 0 : i32
      %dma_wait3A_272 = arith.constant 0 : i32
      %dma_wait3A_273 = tpu.memref_slice %arg8[%dma_wait3A_271, %dma_wait3A_272] : memref<2x4096xi32, #tpu.memory_space<vmem>> -> memref<1x4096xi32, #tpu.memory_space<vmem>>
      %dma_wait3A_274 = tpu.memref_squeeze %dma_wait3A_273 : memref<1x4096xi32, #tpu.memory_space<vmem>> -> memref<4096xi32, #tpu.memory_space<vmem>>
      %dma_wait3A_275 = arith.constant 8192 : i32
      %dma_wait3A_276 = tpu.memref_slice %arg11[%select_n3A_270, %dma_wait3A_275] : memref<2x16384xi32, #tpu.memory_space<vmem_shared>> -> memref<1x4096xi32, #tpu.memory_space<vmem_shared>>
      %dma_wait3A_277 = tpu.memref_squeeze %dma_wait3A_276 : memref<1x4096xi32, #tpu.memory_space<vmem_shared>> -> memref<4096xi32, #tpu.memory_space<vmem_shared>>
      %dma_wait3A_278 = arith.constant 0 : i32
      %dma_wait3A_279 = tpu.memref_slice %arg8[%dma_wait3A_271, %dma_wait3A_278] : memref<2x4096xi32, #tpu.memory_space<vmem>> -> memref<1x4096xi32, #tpu.memory_space<vmem>>
      %dma_wait3A_280 = tpu.memref_squeeze %dma_wait3A_279 : memref<1x4096xi32, #tpu.memory_space<vmem>> -> memref<4096xi32, #tpu.memory_space<vmem>>
      %dma_wait3A_281 = arith.constant 8192 : i32
      %dma_wait3A_282 = tpu.memref_slice %arg11[%select_n3A_270, %dma_wait3A_281] : memref<2x16384xi32, #tpu.memory_space<vmem_shared>> -> memref<1x4096xi32, #tpu.memory_space<vmem_shared>>
      %dma_wait3A_283 = tpu.memref_squeeze %dma_wait3A_282 : memref<1x4096xi32, #tpu.memory_space<vmem_shared>> -> memref<4096xi32, #tpu.memory_space<vmem_shared>>
      tpu.wait_dma2 semaphore(%arg14 : memref<!tpu.dma_semaphore, #tpu.memory_space<semaphore_mem>>) src(%dma_wait3A_283 : memref<4096xi32, #tpu.memory_space<vmem_shared>>) dst(%dma_wait3A_280 : memref<4096xi32, #tpu.memory_space<vmem>>)
      %parallel_loop3A_284 = arith.constant 0 : i32
      %parallel_loop3A_285 = arith.constant 256 : i32
      %parallel_loop3A_286 = arith.constant 1 : i32
      scf.for %parallel_loop3A_626 = %parallel_loop3A_284 to %parallel_loop3A_285 step %parallel_loop3A_286  : i32 {
        %parallel_loop3A_627 = arith.constant 16 : i32
        %parallel_loop3A_628 = arith.muli %parallel_loop3A_626, %parallel_loop3A_627 : i32
        %parallel_loop3A_629 = arith.constant 0 : i32
        %parallel_loop3A_630 = arith.index_cast %parallel_loop3A_629 : i32 to index
        %parallel_loop3A_631 = arith.index_cast %parallel_loop3A_628 : i32 to index
        %parallel_loop3A_632 = tpu.vector_load %arg8[%parallel_loop3A_630, %parallel_loop3A_631] {strides = array<i32>} : memref<2x4096xi32, #tpu.memory_space<vmem>>, vector<16xi32>,
        %parallel_loop3A_633 = arith.constant 0 : i32
        %parallel_loop3A_634 = vector.broadcast %parallel_loop3A_633 : i32 to vector<16xi32>
        %parallel_loop3A_635 = arith.subi %parallel_loop3A_632, %parallel_loop3A_634 : vector<16xi32>
        %parallel_loop3A_636 = vector.bitcast %parallel_loop3A_635 : vector<16xi32> to vector<16xi32>
        %parallel_loop3A_637 = arith.constant 50048 : i32
        %parallel_loop3A_638 = vector.broadcast %parallel_loop3A_637 : i32 to vector<16xi32>
        %parallel_loop3A_639 = arith.cmpi ult, %parallel_loop3A_636, %parallel_loop3A_638 : vector<16xi32>
        %parallel_loop3A_640 = tpu.vector_load_idx %arg6[%parallel_loop3A_635] masked %parallel_loop3A_639 : memref<50048xf32, #tpu.memory_space<vmem>>[vector<16xi32>], vector<16xf32>, vector<16xi1>
        %parallel_loop3A_641 = arith.constant 0.000000e+00 : f32
        %parallel_loop3A_642 = vector.broadcast %parallel_loop3A_641 : f32 to vector<16xf32>
        %parallel_loop3A_643 = arith.select %parallel_loop3A_639, %parallel_loop3A_640, %parallel_loop3A_642 : vector<16xi1>, vector<16xf32>
        %parallel_loop3A_644 = arith.constant 16 : i32
        %parallel_loop3A_645 = arith.muli %parallel_loop3A_626, %parallel_loop3A_644 : i32
        %parallel_loop3A_646 = arith.constant 8192 : i32
        %parallel_loop3A_647 = arith.addi %parallel_loop3A_646, %parallel_loop3A_645 : i32
        %parallel_loop3A_648 = arith.index_cast %parallel_loop3A_647 : i32 to index
        %parallel_loop3A_649 = tpu.vector_load %arg9[%parallel_loop3A_648] {strides = array<i32>} : memref<16384xf32, #tpu.memory_space<vmem>>, vector<16xf32>,
        %parallel_loop3A_650 = arith.addf %parallel_loop3A_649, %parallel_loop3A_643 : vector<16xf32>
        %parallel_loop3A_651 = arith.index_cast %parallel_loop3A_647 : i32 to index
        %parallel_loop3A_652 = tpu.vector_load %arg9[%parallel_loop3A_651] {strides = array<i32>} : memref<16384xf32, #tpu.memory_space<vmem>>, vector<16xf32>,
        tpu.vector_store %arg9[%parallel_loop3A_651], %parallel_loop3A_650 {strides = array<i32>} : memref<16384xf32, #tpu.memory_space<vmem>>, vector<16xf32>,
      } {sc.loop_unroll_factor = 8 : i64, sc.parallel_access}
      %jit3A_287 = arith.constant 2 : i32
      %eq3A_288 = arith.constant 0 : i32
      %eq3A_289 = arith.cmpi eq, %jit3A_287, %eq3A_288 : i32
      %jit3A_290 = arith.constant 1 : i32
      %select_n3A_291 = arith.select %eq3A_289, %jit3A_290, %jit3A_287 : i32
      %rem3A_292 = arith.remsi %scan3A_30, %select_n3A_291 : i32
      %ne3A_293 = arith.constant 0 : i32
      %ne3A_294 = arith.cmpi ne, %rem3A_292, %ne3A_293 : i32
      %lt3A_295 = arith.constant 0 : i32
      %lt3A_296 = arith.cmpi slt, %rem3A_292, %lt3A_295 : i32
      %lt3A_297 = arith.constant 0 : i32
      %lt3A_298 = arith.cmpi slt, %select_n3A_291, %lt3A_297 : i32
      %ne3A_299 = arith.xori %lt3A_296, %lt3A_298 : i1
      %and3A_300 = arith.andi %ne3A_299, %ne3A_294 : i1
      %add3A_301 = arith.addi %rem3A_292, %select_n3A_291 : i32
      %select_n3A_302 = arith.select %and3A_300, %add3A_301, %rem3A_292 : i32
      %dma_wait3A_303 = arith.constant 1 : i32
      %dma_wait3A_304 = arith.constant 0 : i32
      %dma_wait3A_305 = tpu.memref_slice %arg8[%dma_wait3A_303, %dma_wait3A_304] : memref<2x4096xi32, #tpu.memory_space<vmem>> -> memref<1x4096xi32, #tpu.memory_space<vmem>>
      %dma_wait3A_306 = tpu.memref_squeeze %dma_wait3A_305 : memref<1x4096xi32, #tpu.memory_space<vmem>> -> memref<4096xi32, #tpu.memory_space<vmem>>
      %dma_wait3A_307 = arith.constant 12288 : i32
      %dma_wait3A_308 = tpu.memref_slice %arg11[%select_n3A_302, %dma_wait3A_307] : memref<2x16384xi32, #tpu.memory_space<vmem_shared>> -> memref<1x4096xi32, #tpu.memory_space<vmem_shared>>
      %dma_wait3A_309 = tpu.memref_squeeze %dma_wait3A_308 : memref<1x4096xi32, #tpu.memory_space<vmem_shared>> -> memref<4096xi32, #tpu.memory_space<vmem_shared>>
      %dma_wait3A_310 = arith.constant 0 : i32
      %dma_wait3A_311 = tpu.memref_slice %arg8[%dma_wait3A_303, %dma_wait3A_310] : memref<2x4096xi32, #tpu.memory_space<vmem>> -> memref<1x4096xi32, #tpu.memory_space<vmem>>
      %dma_wait3A_312 = tpu.memref_squeeze %dma_wait3A_311 : memref<1x4096xi32, #tpu.memory_space<vmem>> -> memref<4096xi32, #tpu.memory_space<vmem>>
      %dma_wait3A_313 = arith.constant 12288 : i32
      %dma_wait3A_314 = tpu.memref_slice %arg11[%select_n3A_302, %dma_wait3A_313] : memref<2x16384xi32, #tpu.memory_space<vmem_shared>> -> memref<1x4096xi32, #tpu.memory_space<vmem_shared>>
      %dma_wait3A_315 = tpu.memref_squeeze %dma_wait3A_314 : memref<1x4096xi32, #tpu.memory_space<vmem_shared>> -> memref<4096xi32, #tpu.memory_space<vmem_shared>>
      tpu.wait_dma2 semaphore(%arg14 : memref<!tpu.dma_semaphore, #tpu.memory_space<semaphore_mem>>) src(%dma_wait3A_315 : memref<4096xi32, #tpu.memory_space<vmem_shared>>) dst(%dma_wait3A_312 : memref<4096xi32, #tpu.memory_space<vmem>>)
      %parallel_loop3A_316 = arith.constant 0 : i32
      %parallel_loop3A_317 = arith.constant 256 : i32
      %parallel_loop3A_318 = arith.constant 1 : i32
      scf.for %parallel_loop3A_626 = %parallel_loop3A_316 to %parallel_loop3A_317 step %parallel_loop3A_318  : i32 {
        %parallel_loop3A_627 = arith.constant 16 : i32
        %parallel_loop3A_628 = arith.muli %parallel_loop3A_626, %parallel_loop3A_627 : i32
        %parallel_loop3A_629 = arith.constant 1 : i32
        %parallel_loop3A_630 = arith.index_cast %parallel_loop3A_629 : i32 to index
        %parallel_loop3A_631 = arith.index_cast %parallel_loop3A_628 : i32 to index
        %parallel_loop3A_632 = tpu.vector_load %arg8[%parallel_loop3A_630, %parallel_loop3A_631] {strides = array<i32>} : memref<2x4096xi32, #tpu.memory_space<vmem>>, vector<16xi32>,
        %parallel_loop3A_633 = arith.constant 0 : i32
        %parallel_loop3A_634 = vector.broadcast %parallel_loop3A_633 : i32 to vector<16xi32>
        %parallel_loop3A_635 = arith.subi %parallel_loop3A_632, %parallel_loop3A_634 : vector<16xi32>
        %parallel_loop3A_636 = vector.bitcast %parallel_loop3A_635 : vector<16xi32> to vector<16xi32>
        %parallel_loop3A_637 = arith.constant 50048 : i32
        %parallel_loop3A_638 = vector.broadcast %parallel_loop3A_637 : i32 to vector<16xi32>
        %parallel_loop3A_639 = arith.cmpi ult, %parallel_loop3A_636, %parallel_loop3A_638 : vector<16xi32>
        %parallel_loop3A_640 = tpu.vector_load_idx %arg6[%parallel_loop3A_635] masked %parallel_loop3A_639 : memref<50048xf32, #tpu.memory_space<vmem>>[vector<16xi32>], vector<16xf32>, vector<16xi1>
        %parallel_loop3A_641 = arith.constant 0.000000e+00 : f32
        %parallel_loop3A_642 = vector.broadcast %parallel_loop3A_641 : f32 to vector<16xf32>
        %parallel_loop3A_643 = arith.select %parallel_loop3A_639, %parallel_loop3A_640, %parallel_loop3A_642 : vector<16xi1>, vector<16xf32>
        %parallel_loop3A_644 = arith.constant 16 : i32
        %parallel_loop3A_645 = arith.muli %parallel_loop3A_626, %parallel_loop3A_644 : i32
        %parallel_loop3A_646 = arith.constant 12288 : i32
        %parallel_loop3A_647 = arith.addi %parallel_loop3A_646, %parallel_loop3A_645 : i32
        %parallel_loop3A_648 = arith.index_cast %parallel_loop3A_647 : i32 to index
        %parallel_loop3A_649 = tpu.vector_load %arg9[%parallel_loop3A_648] {strides = array<i32>} : memref<16384xf32, #tpu.memory_space<vmem>>, vector<16xf32>,
        %parallel_loop3A_650 = arith.addf %parallel_loop3A_649, %parallel_loop3A_643 : vector<16xf32>
        %parallel_loop3A_651 = arith.index_cast %parallel_loop3A_647 : i32 to index
        %parallel_loop3A_652 = tpu.vector_load %arg9[%parallel_loop3A_651] {strides = array<i32>} : memref<16384xf32, #tpu.memory_space<vmem>>, vector<16xf32>,
        tpu.vector_store %arg9[%parallel_loop3A_651], %parallel_loop3A_650 {strides = array<i32>} : memref<16384xf32, #tpu.memory_space<vmem>>, vector<16xf32>,
      } {sc.loop_unroll_factor = 8 : i64, sc.parallel_access}
      %dma_wait3A_319 = arith.constant 0 : i32
      %dma_wait3A_320 = tpu.memref_slice %arg7[%dma_wait3A_319] : memref<50048xf32, #tpu.memory_space<vmem>> -> memref<49920xf32, #tpu.memory_space<vmem>>
      %dma_wait3A_321 = arith.constant 0 : i32
      %dma_wait3A_322 = arith.constant 50048 : i32
      %dma_wait3A_323 = tpu.memref_slice %arg2[%scan3A_30, %dma_wait3A_321, %dma_wait3A_322] : memref<26x32x100000xf32, #tpu.memory_space<hbm>> -> memref<1x32x49920xf32, #tpu.memory_space<hbm>>
      %dma_wait3A_324 = tpu.memref_squeeze %dma_wait3A_323 : memref<1x32x49920xf32, #tpu.memory_space<hbm>> -> memref<32x49920xf32, #tpu.memory_space<hbm>>
      %dma_wait3A_325 = arith.constant 0 : i32
      %dma_wait3A_326 = tpu.memref_slice %dma_wait3A_324[%add3A, %dma_wait3A_325] : memref<32x49920xf32, #tpu.memory_space<hbm>> -> memref<1x49920xf32, #tpu.memory_space<hbm>>
      %dma_wait3A_327 = tpu.memref_squeeze %dma_wait3A_326 : memref<1x49920xf32, #tpu.memory_space<hbm>> -> memref<49920xf32, #tpu.memory_space<hbm>>
      %dma_wait3A_328 = arith.constant 0 : i32
      %dma_wait3A_329 = tpu.memref_slice %arg7[%dma_wait3A_328] : memref<50048xf32, #tpu.memory_space<vmem>> -> memref<49920xf32, #tpu.memory_space<vmem>>
      %dma_wait3A_330 = arith.constant 0 : i32
      %dma_wait3A_331 = arith.constant 50048 : i32
      %dma_wait3A_332 = tpu.memref_slice %arg2[%scan3A_30, %dma_wait3A_330, %dma_wait3A_331] : memref<26x32x100000xf32, #tpu.memory_space<hbm>> -> memref<1x32x49920xf32, #tpu.memory_space<hbm>>
      %dma_wait3A_333 = tpu.memref_squeeze %dma_wait3A_332 : memref<1x32x49920xf32, #tpu.memory_space<hbm>> -> memref<32x49920xf32, #tpu.memory_space<hbm>>
      %dma_wait3A_334 = arith.constant 0 : i32
      %dma_wait3A_335 = tpu.memref_slice %dma_wait3A_333[%add3A, %dma_wait3A_334] : memref<32x49920xf32, #tpu.memory_space<hbm>> -> memref<1x49920xf32, #tpu.memory_space<hbm>>
      %dma_wait3A_336 = tpu.memref_squeeze %dma_wait3A_335 : memref<1x49920xf32, #tpu.memory_space<hbm>> -> memref<49920xf32, #tpu.memory_space<hbm>>
      tpu.wait_dma2 semaphore(%arg13 : memref<!tpu.dma_semaphore, #tpu.memory_space<semaphore_mem>>) src(%dma_wait3A_336 : memref<49920xf32, #tpu.memory_space<hbm>>) dst(%dma_wait3A_329 : memref<49920xf32, #tpu.memory_space<vmem>>)
      %add3A_337 = arith.constant 1 : i32
      %add3A_338 = arith.addi %scan3A_30, %add3A_337 : i32
      %lt3A_339 = arith.constant 26 : i32
      %lt3A_340 = arith.cmpi slt, %add3A_338, %lt3A_339 : i32
      %convert_element_type3A_341 = arith.extui %lt3A_340 : i1 to i32
      %cond3A_342 = arith.constant 0 : i32
      %cond3A_343 = arith.cmpi ne, %convert_element_type3A_341, %cond3A_342 : i32
      scf.if %cond3A_343 {
        %add3A_626 = arith.constant 1 : i32
        %add3A_627 = arith.addi %scan3A_30, %add3A_626 : i32
        %dma_start3A_628 = arith.constant 0 : i32
        %dma_start3A_629 = tpu.memref_slice %arg6[%dma_start3A_628] : memref<50048xf32, #tpu.memory_space<vmem>> -> memref<50048xf32, #tpu.memory_space<vmem>>
        %dma_start3A_630 = arith.constant 0 : i32
        %dma_start3A_631 = arith.constant 0 : i32
        %dma_start3A_632 = tpu.memref_slice %arg2[%add3A_627, %dma_start3A_630, %dma_start3A_631] : memref<26x32x100000xf32, #tpu.memory_space<hbm>> -> memref<1x32x50048xf32, #tpu.memory_space<hbm>>
        %dma_start3A_633 = tpu.memref_squeeze %dma_start3A_632 : memref<1x32x50048xf32, #tpu.memory_space<hbm>> -> memref<32x50048xf32, #tpu.memory_space<hbm>>
        %dma_start3A_634 = arith.constant 0 : i32
        %dma_start3A_635 = tpu.memref_slice %dma_start3A_633[%add3A, %dma_start3A_634] : memref<32x50048xf32, #tpu.memory_space<hbm>> -> memref<1x50048xf32, #tpu.memory_space<hbm>>
        %dma_start3A_636 = tpu.memref_squeeze %dma_start3A_635 : memref<1x50048xf32, #tpu.memory_space<hbm>> -> memref<50048xf32, #tpu.memory_space<hbm>>
        %dma_start3A_637 = arith.constant 0 : i32
        %dma_start3A_638 = tpu.memref_slice %arg6[%dma_start3A_637] : memref<50048xf32, #tpu.memory_space<vmem>> -> memref<50048xf32, #tpu.memory_space<vmem>>
        %dma_start3A_639 = arith.constant 0 : i32
        %dma_start3A_640 = arith.constant 0 : i32
        %dma_start3A_641 = tpu.memref_slice %arg2[%add3A_627, %dma_start3A_639, %dma_start3A_640] : memref<26x32x100000xf32, #tpu.memory_space<hbm>> -> memref<1x32x50048xf32, #tpu.memory_space<hbm>>
        %dma_start3A_642 = tpu.memref_squeeze %dma_start3A_641 : memref<1x32x50048xf32, #tpu.memory_space<hbm>> -> memref<32x50048xf32, #tpu.memory_space<hbm>>
        %dma_start3A_643 = arith.constant 0 : i32
        %dma_start3A_644 = tpu.memref_slice %dma_start3A_642[%add3A, %dma_start3A_643] : memref<32x50048xf32, #tpu.memory_space<hbm>> -> memref<1x50048xf32, #tpu.memory_space<hbm>>
        %dma_start3A_645 = tpu.memref_squeeze %dma_start3A_644 : memref<1x50048xf32, #tpu.memory_space<hbm>> -> memref<50048xf32, #tpu.memory_space<hbm>>
        tpu.enqueue_dma source(%dma_start3A_645 : memref<50048xf32, #tpu.memory_space<hbm>>) target(%dma_start3A_638 : memref<50048xf32, #tpu.memory_space<vmem>>) target_semaphore(%arg12 : memref<!tpu.dma_semaphore, #tpu.memory_space<semaphore_mem>>)
      } else {
      }
      %get3A = arith.index_cast %scan3A_30 : i32 to index
      %get3A_344 = arith.constant 0 : index
      %get3A_345 = tpu.vector_load %arg10[%get3A, %get3A_344] {strides = array<i32>} : memref<26x128xf32, #tpu.memory_space<vmem>>, vector<16xf32>,
      %swap3A = arith.constant 49824 : index
      %swap3A_346 = tpu.vector_load %arg7[%swap3A] {strides = array<i32>} : memref<50048xf32, #tpu.memory_space<vmem>>, vector<16xf32>,
      tpu.vector_store %arg7[%swap3A], %get3A_345 {strides = array<i32>} : memref<50048xf32, #tpu.memory_space<vmem>>, vector<16xf32>,
      %get3A_347 = arith.index_cast %scan3A_30 : i32 to index
      %get3A_348 = arith.constant 16 : index
      %get3A_349 = tpu.vector_load %arg10[%get3A_347, %get3A_348] {strides = array<i32>} : memref<26x128xf32, #tpu.memory_space<vmem>>, vector<16xf32>,
      %swap3A_350 = arith.constant 49840 : index
      %swap3A_351 = tpu.vector_load %arg7[%swap3A_350] {strides = array<i32>} : memref<50048xf32, #tpu.memory_space<vmem>>, vector<16xf32>,
      tpu.vector_store %arg7[%swap3A_350], %get3A_349 {strides = array<i32>} : memref<50048xf32, #tpu.memory_space<vmem>>, vector<16xf32>,
      %get3A_352 = arith.index_cast %scan3A_30 : i32 to index
      %get3A_353 = arith.constant 32 : index
      %get3A_354 = tpu.vector_load %arg10[%get3A_352, %get3A_353] {strides = array<i32>} : memref<26x128xf32, #tpu.memory_space<vmem>>, vector<16xf32>,
      %swap3A_355 = arith.constant 49856 : index
      %swap3A_356 = tpu.vector_load %arg7[%swap3A_355] {strides = array<i32>} : memref<50048xf32, #tpu.memory_space<vmem>>, vector<16xf32>,
      tpu.vector_store %arg7[%swap3A_355], %get3A_354 {strides = array<i32>} : memref<50048xf32, #tpu.memory_space<vmem>>, vector<16xf32>,
      %get3A_357 = arith.index_cast %scan3A_30 : i32 to index
      %get3A_358 = arith.constant 48 : index
      %get3A_359 = tpu.vector_load %arg10[%get3A_357, %get3A_358] {strides = array<i32>} : memref<26x128xf32, #tpu.memory_space<vmem>>, vector<16xf32>,
      %swap3A_360 = arith.constant 49872 : index
      %swap3A_361 = tpu.vector_load %arg7[%swap3A_360] {strides = array<i32>} : memref<50048xf32, #tpu.memory_space<vmem>>, vector<16xf32>,
      tpu.vector_store %arg7[%swap3A_360], %get3A_359 {strides = array<i32>} : memref<50048xf32, #tpu.memory_space<vmem>>, vector<16xf32>,
      %get3A_362 = arith.index_cast %scan3A_30 : i32 to index
      %get3A_363 = arith.constant 64 : index
      %get3A_364 = tpu.vector_load %arg10[%get3A_362, %get3A_363] {strides = array<i32>} : memref<26x128xf32, #tpu.memory_space<vmem>>, vector<16xf32>,
      %swap3A_365 = arith.constant 49888 : index
      %swap3A_366 = tpu.vector_load %arg7[%swap3A_365] {strides = array<i32>} : memref<50048xf32, #tpu.memory_space<vmem>>, vector<16xf32>,
      tpu.vector_store %arg7[%swap3A_365], %get3A_364 {strides = array<i32>} : memref<50048xf32, #tpu.memory_space<vmem>>, vector<16xf32>,
      %get3A_367 = arith.index_cast %scan3A_30 : i32 to index
      %get3A_368 = arith.constant 80 : index
      %get3A_369 = tpu.vector_load %arg10[%get3A_367, %get3A_368] {strides = array<i32>} : memref<26x128xf32, #tpu.memory_space<vmem>>, vector<16xf32>,
      %swap3A_370 = arith.constant 49904 : index
      %swap3A_371 = tpu.vector_load %arg7[%swap3A_370] {strides = array<i32>} : memref<50048xf32, #tpu.memory_space<vmem>>, vector<16xf32>,
      tpu.vector_store %arg7[%swap3A_370], %get3A_369 {strides = array<i32>} : memref<50048xf32, #tpu.memory_space<vmem>>, vector<16xf32>,
      %get3A_372 = arith.index_cast %scan3A_30 : i32 to index
      %get3A_373 = arith.constant 96 : index
      %get3A_374 = tpu.vector_load %arg10[%get3A_372, %get3A_373] {strides = array<i32>} : memref<26x128xf32, #tpu.memory_space<vmem>>, vector<16xf32>,
      %swap3A_375 = arith.constant 49920 : index
      %swap3A_376 = tpu.vector_load %arg7[%swap3A_375] {strides = array<i32>} : memref<50048xf32, #tpu.memory_space<vmem>>, vector<16xf32>,
      tpu.vector_store %arg7[%swap3A_375], %get3A_374 {strides = array<i32>} : memref<50048xf32, #tpu.memory_space<vmem>>, vector<16xf32>,
      %get3A_377 = arith.index_cast %scan3A_30 : i32 to index
      %get3A_378 = arith.constant 112 : index
      %get3A_379 = tpu.vector_load %arg10[%get3A_377, %get3A_378] {strides = array<i32>} : memref<26x128xf32, #tpu.memory_space<vmem>>, vector<16xf32>,
      %swap3A_380 = arith.constant 49936 : index
      %swap3A_381 = tpu.vector_load %arg7[%swap3A_380] {strides = array<i32>} : memref<50048xf32, #tpu.memory_space<vmem>>, vector<16xf32>,
      tpu.vector_store %arg7[%swap3A_380], %get3A_379 {strides = array<i32>} : memref<50048xf32, #tpu.memory_space<vmem>>, vector<16xf32>,
      %jit3A_382 = arith.constant 2 : i32
      %eq3A_383 = arith.constant 0 : i32
      %eq3A_384 = arith.cmpi eq, %jit3A_382, %eq3A_383 : i32
      %jit3A_385 = arith.constant 1 : i32
      %select_n3A_386 = arith.select %eq3A_384, %jit3A_385, %jit3A_382 : i32
      %rem3A_387 = arith.remsi %scan3A_30, %select_n3A_386 : i32
      %ne3A_388 = arith.constant 0 : i32
      %ne3A_389 = arith.cmpi ne, %rem3A_387, %ne3A_388 : i32
      %lt3A_390 = arith.constant 0 : i32
      %lt3A_391 = arith.cmpi slt, %rem3A_387, %lt3A_390 : i32
      %lt3A_392 = arith.constant 0 : i32
      %lt3A_393 = arith.cmpi slt, %select_n3A_386, %lt3A_392 : i32
      %ne3A_394 = arith.xori %lt3A_391, %lt3A_393 : i1
      %and3A_395 = arith.andi %ne3A_394, %ne3A_389 : i1
      %add3A_396 = arith.addi %rem3A_387, %select_n3A_386 : i32
      %select_n3A_397 = arith.select %and3A_395, %add3A_396, %rem3A_387 : i32
      %dma_start3A_398 = arith.constant 0 : i32
      %dma_start3A_399 = arith.constant 0 : i32
      %dma_start3A_400 = tpu.memref_slice %arg8[%dma_start3A_398, %dma_start3A_399] : memref<2x4096xi32, #tpu.memory_space<vmem>> -> memref<1x4096xi32, #tpu.memory_space<vmem>>
      %dma_start3A_401 = tpu.memref_squeeze %dma_start3A_400 : memref<1x4096xi32, #tpu.memory_space<vmem>> -> memref<4096xi32, #tpu.memory_space<vmem>>
      %dma_start3A_402 = arith.constant 0 : i32
      %dma_start3A_403 = tpu.memref_slice %arg11[%select_n3A_397, %dma_start3A_402] : memref<2x16384xi32, #tpu.memory_space<vmem_shared>> -> memref<1x4096xi32, #tpu.memory_space<vmem_shared>>
      %dma_start3A_404 = tpu.memref_squeeze %dma_start3A_403 : memref<1x4096xi32, #tpu.memory_space<vmem_shared>> -> memref<4096xi32, #tpu.memory_space<vmem_shared>>
      %dma_start3A_405 = arith.constant 0 : i32
      %dma_start3A_406 = tpu.memref_slice %arg8[%dma_start3A_398, %dma_start3A_405] : memref<2x4096xi32, #tpu.memory_space<vmem>> -> memref<1x4096xi32, #tpu.memory_space<vmem>>
      %dma_start3A_407 = tpu.memref_squeeze %dma_start3A_406 : memref<1x4096xi32, #tpu.memory_space<vmem>> -> memref<4096xi32, #tpu.memory_space<vmem>>
      %dma_start3A_408 = arith.constant 0 : i32
      %dma_start3A_409 = tpu.memref_slice %arg11[%select_n3A_397, %dma_start3A_408] : memref<2x16384xi32, #tpu.memory_space<vmem_shared>> -> memref<1x4096xi32, #tpu.memory_space<vmem_shared>>
      %dma_start3A_410 = tpu.memref_squeeze %dma_start3A_409 : memref<1x4096xi32, #tpu.memory_space<vmem_shared>> -> memref<4096xi32, #tpu.memory_space<vmem_shared>>
      tpu.enqueue_dma source(%dma_start3A_410 : memref<4096xi32, #tpu.memory_space<vmem_shared>>) target(%dma_start3A_407 : memref<4096xi32, #tpu.memory_space<vmem>>) target_semaphore(%arg14 : memref<!tpu.dma_semaphore, #tpu.memory_space<semaphore_mem>>)
      %jit3A_411 = arith.constant 2 : i32
      %eq3A_412 = arith.constant 0 : i32
      %eq3A_413 = arith.cmpi eq, %jit3A_411, %eq3A_412 : i32
      %jit3A_414 = arith.constant 1 : i32
      %select_n3A_415 = arith.select %eq3A_413, %jit3A_414, %jit3A_411 : i32
      %rem3A_416 = arith.remsi %scan3A_30, %select_n3A_415 : i32
      %ne3A_417 = arith.constant 0 : i32
      %ne3A_418 = arith.cmpi ne, %rem3A_416, %ne3A_417 : i32
      %lt3A_419 = arith.constant 0 : i32
      %lt3A_420 = arith.cmpi slt, %rem3A_416, %lt3A_419 : i32
      %lt3A_421 = arith.constant 0 : i32
      %lt3A_422 = arith.cmpi slt, %select_n3A_415, %lt3A_421 : i32
      %ne3A_423 = arith.xori %lt3A_420, %lt3A_422 : i1
      %and3A_424 = arith.andi %ne3A_423, %ne3A_418 : i1
      %add3A_425 = arith.addi %rem3A_416, %select_n3A_415 : i32
      %select_n3A_426 = arith.select %and3A_424, %add3A_425, %rem3A_416 : i32
      %dma_start3A_427 = arith.constant 1 : i32
      %dma_start3A_428 = arith.constant 0 : i32
      %dma_start3A_429 = tpu.memref_slice %arg8[%dma_start3A_427, %dma_start3A_428] : memref<2x4096xi32, #tpu.memory_space<vmem>> -> memref<1x4096xi32, #tpu.memory_space<vmem>>
      %dma_start3A_430 = tpu.memref_squeeze %dma_start3A_429 : memref<1x4096xi32, #tpu.memory_space<vmem>> -> memref<4096xi32, #tpu.memory_space<vmem>>
      %dma_start3A_431 = arith.constant 4096 : i32
      %dma_start3A_432 = tpu.memref_slice %arg11[%select_n3A_426, %dma_start3A_431] : memref<2x16384xi32, #tpu.memory_space<vmem_shared>> -> memref<1x4096xi32, #tpu.memory_space<vmem_shared>>
      %dma_start3A_433 = tpu.memref_squeeze %dma_start3A_432 : memref<1x4096xi32, #tpu.memory_space<vmem_shared>> -> memref<4096xi32, #tpu.memory_space<vmem_shared>>
      %dma_start3A_434 = arith.constant 0 : i32
      %dma_start3A_435 = tpu.memref_slice %arg8[%dma_start3A_427, %dma_start3A_434] : memref<2x4096xi32, #tpu.memory_space<vmem>> -> memref<1x4096xi32, #tpu.memory_space<vmem>>
      %dma_start3A_436 = tpu.memref_squeeze %dma_start3A_435 : memref<1x4096xi32, #tpu.memory_space<vmem>> -> memref<4096xi32, #tpu.memory_space<vmem>>
      %dma_start3A_437 = arith.constant 4096 : i32
      %dma_start3A_438 = tpu.memref_slice %arg11[%select_n3A_426, %dma_start3A_437] : memref<2x16384xi32, #tpu.memory_space<vmem_shared>> -> memref<1x4096xi32, #tpu.memory_space<vmem_shared>>
      %dma_start3A_439 = tpu.memref_squeeze %dma_start3A_438 : memref<1x4096xi32, #tpu.memory_space<vmem_shared>> -> memref<4096xi32, #tpu.memory_space<vmem_shared>>
      tpu.enqueue_dma source(%dma_start3A_439 : memref<4096xi32, #tpu.memory_space<vmem_shared>>) target(%dma_start3A_436 : memref<4096xi32, #tpu.memory_space<vmem>>) target_semaphore(%arg14 : memref<!tpu.dma_semaphore, #tpu.memory_space<semaphore_mem>>)
      %jit3A_440 = arith.constant 2 : i32
      %eq3A_441 = arith.constant 0 : i32
      %eq3A_442 = arith.cmpi eq, %jit3A_440, %eq3A_441 : i32
      %jit3A_443 = arith.constant 1 : i32
      %select_n3A_444 = arith.select %eq3A_442, %jit3A_443, %jit3A_440 : i32
      %rem3A_445 = arith.remsi %scan3A_30, %select_n3A_444 : i32
      %ne3A_446 = arith.constant 0 : i32
      %ne3A_447 = arith.cmpi ne, %rem3A_445, %ne3A_446 : i32
      %lt3A_448 = arith.constant 0 : i32
      %lt3A_449 = arith.cmpi slt, %rem3A_445, %lt3A_448 : i32
      %lt3A_450 = arith.constant 0 : i32
      %lt3A_451 = arith.cmpi slt, %select_n3A_444, %lt3A_450 : i32
      %ne3A_452 = arith.xori %lt3A_449, %lt3A_451 : i1
      %and3A_453 = arith.andi %ne3A_452, %ne3A_447 : i1
      %add3A_454 = arith.addi %rem3A_445, %select_n3A_444 : i32
      %select_n3A_455 = arith.select %and3A_453, %add3A_454, %rem3A_445 : i32
      %dma_wait3A_456 = arith.constant 0 : i32
      %dma_wait3A_457 = arith.constant 0 : i32
      %dma_wait3A_458 = tpu.memref_slice %arg8[%dma_wait3A_456, %dma_wait3A_457] : memref<2x4096xi32, #tpu.memory_space<vmem>> -> memref<1x4096xi32, #tpu.memory_space<vmem>>
      %dma_wait3A_459 = tpu.memref_squeeze %dma_wait3A_458 : memref<1x4096xi32, #tpu.memory_space<vmem>> -> memref<4096xi32, #tpu.memory_space<vmem>>
      %dma_wait3A_460 = arith.constant 0 : i32
      %dma_wait3A_461 = tpu.memref_slice %arg11[%select_n3A_455, %dma_wait3A_460] : memref<2x16384xi32, #tpu.memory_space<vmem_shared>> -> memref<1x4096xi32, #tpu.memory_space<vmem_shared>>
      %dma_wait3A_462 = tpu.memref_squeeze %dma_wait3A_461 : memref<1x4096xi32, #tpu.memory_space<vmem_shared>> -> memref<4096xi32, #tpu.memory_space<vmem_shared>>
      %dma_wait3A_463 = arith.constant 0 : i32
      %dma_wait3A_464 = tpu.memref_slice %arg8[%dma_wait3A_456, %dma_wait3A_463] : memref<2x4096xi32, #tpu.memory_space<vmem>> -> memref<1x4096xi32, #tpu.memory_space<vmem>>
      %dma_wait3A_465 = tpu.memref_squeeze %dma_wait3A_464 : memref<1x4096xi32, #tpu.memory_space<vmem>> -> memref<4096xi32, #tpu.memory_space<vmem>>
      %dma_wait3A_466 = arith.constant 0 : i32
      %dma_wait3A_467 = tpu.memref_slice %arg11[%select_n3A_455, %dma_wait3A_466] : memref<2x16384xi32, #tpu.memory_space<vmem_shared>> -> memref<1x4096xi32, #tpu.memory_space<vmem_shared>>
      %dma_wait3A_468 = tpu.memref_squeeze %dma_wait3A_467 : memref<1x4096xi32, #tpu.memory_space<vmem_shared>> -> memref<4096xi32, #tpu.memory_space<vmem_shared>>
      tpu.wait_dma2 semaphore(%arg14 : memref<!tpu.dma_semaphore, #tpu.memory_space<semaphore_mem>>) src(%dma_wait3A_468 : memref<4096xi32, #tpu.memory_space<vmem_shared>>) dst(%dma_wait3A_465 : memref<4096xi32, #tpu.memory_space<vmem>>)
      %parallel_loop3A_469 = arith.constant 0 : i32
      %parallel_loop3A_470 = arith.constant 256 : i32
      %parallel_loop3A_471 = arith.constant 1 : i32
      scf.for %parallel_loop3A_626 = %parallel_loop3A_469 to %parallel_loop3A_470 step %parallel_loop3A_471  : i32 {
        %parallel_loop3A_627 = arith.constant 16 : i32
        %parallel_loop3A_628 = arith.muli %parallel_loop3A_626, %parallel_loop3A_627 : i32
        %parallel_loop3A_629 = arith.constant 0 : i32
        %parallel_loop3A_630 = arith.index_cast %parallel_loop3A_629 : i32 to index
        %parallel_loop3A_631 = arith.index_cast %parallel_loop3A_628 : i32 to index
        %parallel_loop3A_632 = tpu.vector_load %arg8[%parallel_loop3A_630, %parallel_loop3A_631] {strides = array<i32>} : memref<2x4096xi32, #tpu.memory_space<vmem>>, vector<16xi32>,
        %parallel_loop3A_633 = arith.constant 50048 : i32
        %parallel_loop3A_634 = vector.broadcast %parallel_loop3A_633 : i32 to vector<16xi32>
        %parallel_loop3A_635 = arith.subi %parallel_loop3A_632, %parallel_loop3A_634 : vector<16xi32>
        %parallel_loop3A_636 = vector.bitcast %parallel_loop3A_635 : vector<16xi32> to vector<16xi32>
        %parallel_loop3A_637 = arith.constant 49952 : i32
        %parallel_loop3A_638 = vector.broadcast %parallel_loop3A_637 : i32 to vector<16xi32>
        %parallel_loop3A_639 = arith.cmpi ult, %parallel_loop3A_636, %parallel_loop3A_638 : vector<16xi32>
        %parallel_loop3A_640 = tpu.vector_load_idx %arg7[%parallel_loop3A_635] masked %parallel_loop3A_639 : memref<50048xf32, #tpu.memory_space<vmem>>[vector<16xi32>], vector<16xf32>, vector<16xi1>
        %parallel_loop3A_641 = arith.constant 0.000000e+00 : f32
        %parallel_loop3A_642 = vector.broadcast %parallel_loop3A_641 : f32 to vector<16xf32>
        %parallel_loop3A_643 = arith.select %parallel_loop3A_639, %parallel_loop3A_640, %parallel_loop3A_642 : vector<16xi1>, vector<16xf32>
        %parallel_loop3A_644 = arith.constant 16 : i32
        %parallel_loop3A_645 = arith.muli %parallel_loop3A_626, %parallel_loop3A_644 : i32
        %parallel_loop3A_646 = arith.constant 0 : i32
        %parallel_loop3A_647 = arith.addi %parallel_loop3A_646, %parallel_loop3A_645 : i32
        %parallel_loop3A_648 = arith.index_cast %parallel_loop3A_647 : i32 to index
        %parallel_loop3A_649 = tpu.vector_load %arg9[%parallel_loop3A_648] {strides = array<i32>} : memref<16384xf32, #tpu.memory_space<vmem>>, vector<16xf32>,
        %parallel_loop3A_650 = arith.addf %parallel_loop3A_649, %parallel_loop3A_643 : vector<16xf32>
        %parallel_loop3A_651 = arith.index_cast %parallel_loop3A_647 : i32 to index
        %parallel_loop3A_652 = tpu.vector_load %arg9[%parallel_loop3A_651] {strides = array<i32>} : memref<16384xf32, #tpu.memory_space<vmem>>, vector<16xf32>,
        tpu.vector_store %arg9[%parallel_loop3A_651], %parallel_loop3A_650 {strides = array<i32>} : memref<16384xf32, #tpu.memory_space<vmem>>, vector<16xf32>,
      } {sc.loop_unroll_factor = 8 : i64, sc.parallel_access}
      %jit3A_472 = arith.constant 2 : i32
      %eq3A_473 = arith.constant 0 : i32
      %eq3A_474 = arith.cmpi eq, %jit3A_472, %eq3A_473 : i32
      %jit3A_475 = arith.constant 1 : i32
      %select_n3A_476 = arith.select %eq3A_474, %jit3A_475, %jit3A_472 : i32
      %rem3A_477 = arith.remsi %scan3A_30, %select_n3A_476 : i32
      %ne3A_478 = arith.constant 0 : i32
      %ne3A_479 = arith.cmpi ne, %rem3A_477, %ne3A_478 : i32
      %lt3A_480 = arith.constant 0 : i32
      %lt3A_481 = arith.cmpi slt, %rem3A_477, %lt3A_480 : i32
      %lt3A_482 = arith.constant 0 : i32
      %lt3A_483 = arith.cmpi slt, %select_n3A_476, %lt3A_482 : i32
      %ne3A_484 = arith.xori %lt3A_481, %lt3A_483 : i1
      %and3A_485 = arith.andi %ne3A_484, %ne3A_479 : i1
      %add3A_486 = arith.addi %rem3A_477, %select_n3A_476 : i32
      %select_n3A_487 = arith.select %and3A_485, %add3A_486, %rem3A_477 : i32
      %dma_start3A_488 = arith.constant 0 : i32
      %dma_start3A_489 = arith.constant 0 : i32
      %dma_start3A_490 = tpu.memref_slice %arg8[%dma_start3A_488, %dma_start3A_489] : memref<2x4096xi32, #tpu.memory_space<vmem>> -> memref<1x4096xi32, #tpu.memory_space<vmem>>
      %dma_start3A_491 = tpu.memref_squeeze %dma_start3A_490 : memref<1x4096xi32, #tpu.memory_space<vmem>> -> memref<4096xi32, #tpu.memory_space<vmem>>
      %dma_start3A_492 = arith.constant 8192 : i32
      %dma_start3A_493 = tpu.memref_slice %arg11[%select_n3A_487, %dma_start3A_492] : memref<2x16384xi32, #tpu.memory_space<vmem_shared>> -> memref<1x4096xi32, #tpu.memory_space<vmem_shared>>
      %dma_start3A_494 = tpu.memref_squeeze %dma_start3A_493 : memref<1x4096xi32, #tpu.memory_space<vmem_shared>> -> memref<4096xi32, #tpu.memory_space<vmem_shared>>
      %dma_start3A_495 = arith.constant 0 : i32
      %dma_start3A_496 = tpu.memref_slice %arg8[%dma_start3A_488, %dma_start3A_495] : memref<2x4096xi32, #tpu.memory_space<vmem>> -> memref<1x4096xi32, #tpu.memory_space<vmem>>
      %dma_start3A_497 = tpu.memref_squeeze %dma_start3A_496 : memref<1x4096xi32, #tpu.memory_space<vmem>> -> memref<4096xi32, #tpu.memory_space<vmem>>
      %dma_start3A_498 = arith.constant 8192 : i32
      %dma_start3A_499 = tpu.memref_slice %arg11[%select_n3A_487, %dma_start3A_498] : memref<2x16384xi32, #tpu.memory_space<vmem_shared>> -> memref<1x4096xi32, #tpu.memory_space<vmem_shared>>
      %dma_start3A_500 = tpu.memref_squeeze %dma_start3A_499 : memref<1x4096xi32, #tpu.memory_space<vmem_shared>> -> memref<4096xi32, #tpu.memory_space<vmem_shared>>
      tpu.enqueue_dma source(%dma_start3A_500 : memref<4096xi32, #tpu.memory_space<vmem_shared>>) target(%dma_start3A_497 : memref<4096xi32, #tpu.memory_space<vmem>>) target_semaphore(%arg14 : memref<!tpu.dma_semaphore, #tpu.memory_space<semaphore_mem>>)
      %jit3A_501 = arith.constant 2 : i32
      %eq3A_502 = arith.constant 0 : i32
      %eq3A_503 = arith.cmpi eq, %jit3A_501, %eq3A_502 : i32
      %jit3A_504 = arith.constant 1 : i32
      %select_n3A_505 = arith.select %eq3A_503, %jit3A_504, %jit3A_501 : i32
      %rem3A_506 = arith.remsi %scan3A_30, %select_n3A_505 : i32
      %ne3A_507 = arith.constant 0 : i32
      %ne3A_508 = arith.cmpi ne, %rem3A_506, %ne3A_507 : i32
      %lt3A_509 = arith.constant 0 : i32
      %lt3A_510 = arith.cmpi slt, %rem3A_506, %lt3A_509 : i32
      %lt3A_511 = arith.constant 0 : i32
      %lt3A_512 = arith.cmpi slt, %select_n3A_505, %lt3A_511 : i32
      %ne3A_513 = arith.xori %lt3A_510, %lt3A_512 : i1
      %and3A_514 = arith.andi %ne3A_513, %ne3A_508 : i1
      %add3A_515 = arith.addi %rem3A_506, %select_n3A_505 : i32
      %select_n3A_516 = arith.select %and3A_514, %add3A_515, %rem3A_506 : i32
      %dma_wait3A_517 = arith.constant 1 : i32
      %dma_wait3A_518 = arith.constant 0 : i32
      %dma_wait3A_519 = tpu.memref_slice %arg8[%dma_wait3A_517, %dma_wait3A_518] : memref<2x4096xi32, #tpu.memory_space<vmem>> -> memref<1x4096xi32, #tpu.memory_space<vmem>>
      %dma_wait3A_520 = tpu.memref_squeeze %dma_wait3A_519 : memref<1x4096xi32, #tpu.memory_space<vmem>> -> memref<4096xi32, #tpu.memory_space<vmem>>
      %dma_wait3A_521 = arith.constant 4096 : i32
      %dma_wait3A_522 = tpu.memref_slice %arg11[%select_n3A_516, %dma_wait3A_521] : memref<2x16384xi32, #tpu.memory_space<vmem_shared>> -> memref<1x4096xi32, #tpu.memory_space<vmem_shared>>
      %dma_wait3A_523 = tpu.memref_squeeze %dma_wait3A_522 : memref<1x4096xi32, #tpu.memory_space<vmem_shared>> -> memref<4096xi32, #tpu.memory_space<vmem_shared>>
      %dma_wait3A_524 = arith.constant 0 : i32
      %dma_wait3A_525 = tpu.memref_slice %arg8[%dma_wait3A_517, %dma_wait3A_524] : memref<2x4096xi32, #tpu.memory_space<vmem>> -> memref<1x4096xi32, #tpu.memory_space<vmem>>
      %dma_wait3A_526 = tpu.memref_squeeze %dma_wait3A_525 : memref<1x4096xi32, #tpu.memory_space<vmem>> -> memref<4096xi32, #tpu.memory_space<vmem>>
      %dma_wait3A_527 = arith.constant 4096 : i32
      %dma_wait3A_528 = tpu.memref_slice %arg11[%select_n3A_516, %dma_wait3A_527] : memref<2x16384xi32, #tpu.memory_space<vmem_shared>> -> memref<1x4096xi32, #tpu.memory_space<vmem_shared>>
      %dma_wait3A_529 = tpu.memref_squeeze %dma_wait3A_528 : memref<1x4096xi32, #tpu.memory_space<vmem_shared>> -> memref<4096xi32, #tpu.memory_space<vmem_shared>>
      tpu.wait_dma2 semaphore(%arg14 : memref<!tpu.dma_semaphore, #tpu.memory_space<semaphore_mem>>) src(%dma_wait3A_529 : memref<4096xi32, #tpu.memory_space<vmem_shared>>) dst(%dma_wait3A_526 : memref<4096xi32, #tpu.memory_space<vmem>>)
      %parallel_loop3A_530 = arith.constant 0 : i32
      %parallel_loop3A_531 = arith.constant 256 : i32
      %parallel_loop3A_532 = arith.constant 1 : i32
      scf.for %parallel_loop3A_626 = %parallel_loop3A_530 to %parallel_loop3A_531 step %parallel_loop3A_532  : i32 {
        %parallel_loop3A_627 = arith.constant 16 : i32
        %parallel_loop3A_628 = arith.muli %parallel_loop3A_626, %parallel_loop3A_627 : i32
        %parallel_loop3A_629 = arith.constant 1 : i32
        %parallel_loop3A_630 = arith.index_cast %parallel_loop3A_629 : i32 to index
        %parallel_loop3A_631 = arith.index_cast %parallel_loop3A_628 : i32 to index
        %parallel_loop3A_632 = tpu.vector_load %arg8[%parallel_loop3A_630, %parallel_loop3A_631] {strides = array<i32>} : memref<2x4096xi32, #tpu.memory_space<vmem>>, vector<16xi32>,
        %parallel_loop3A_633 = arith.constant 50048 : i32
        %parallel_loop3A_634 = vector.broadcast %parallel_loop3A_633 : i32 to vector<16xi32>
        %parallel_loop3A_635 = arith.subi %parallel_loop3A_632, %parallel_loop3A_634 : vector<16xi32>
        %parallel_loop3A_636 = vector.bitcast %parallel_loop3A_635 : vector<16xi32> to vector<16xi32>
        %parallel_loop3A_637 = arith.constant 49952 : i32
        %parallel_loop3A_638 = vector.broadcast %parallel_loop3A_637 : i32 to vector<16xi32>
        %parallel_loop3A_639 = arith.cmpi ult, %parallel_loop3A_636, %parallel_loop3A_638 : vector<16xi32>
        %parallel_loop3A_640 = tpu.vector_load_idx %arg7[%parallel_loop3A_635] masked %parallel_loop3A_639 : memref<50048xf32, #tpu.memory_space<vmem>>[vector<16xi32>], vector<16xf32>, vector<16xi1>
        %parallel_loop3A_641 = arith.constant 0.000000e+00 : f32
        %parallel_loop3A_642 = vector.broadcast %parallel_loop3A_641 : f32 to vector<16xf32>
        %parallel_loop3A_643 = arith.select %parallel_loop3A_639, %parallel_loop3A_640, %parallel_loop3A_642 : vector<16xi1>, vector<16xf32>
        %parallel_loop3A_644 = arith.constant 16 : i32
        %parallel_loop3A_645 = arith.muli %parallel_loop3A_626, %parallel_loop3A_644 : i32
        %parallel_loop3A_646 = arith.constant 4096 : i32
        %parallel_loop3A_647 = arith.addi %parallel_loop3A_646, %parallel_loop3A_645 : i32
        %parallel_loop3A_648 = arith.index_cast %parallel_loop3A_647 : i32 to index
        %parallel_loop3A_649 = tpu.vector_load %arg9[%parallel_loop3A_648] {strides = array<i32>} : memref<16384xf32, #tpu.memory_space<vmem>>, vector<16xf32>,
        %parallel_loop3A_650 = arith.addf %parallel_loop3A_649, %parallel_loop3A_643 : vector<16xf32>
        %parallel_loop3A_651 = arith.index_cast %parallel_loop3A_647 : i32 to index
        %parallel_loop3A_652 = tpu.vector_load %arg9[%parallel_loop3A_651] {strides = array<i32>} : memref<16384xf32, #tpu.memory_space<vmem>>, vector<16xf32>,
        tpu.vector_store %arg9[%parallel_loop3A_651], %parallel_loop3A_650 {strides = array<i32>} : memref<16384xf32, #tpu.memory_space<vmem>>, vector<16xf32>,
      } {sc.loop_unroll_factor = 8 : i64, sc.parallel_access}
      %jit3A_533 = arith.constant 2 : i32
      %eq3A_534 = arith.constant 0 : i32
      %eq3A_535 = arith.cmpi eq, %jit3A_533, %eq3A_534 : i32
      %jit3A_536 = arith.constant 1 : i32
      %select_n3A_537 = arith.select %eq3A_535, %jit3A_536, %jit3A_533 : i32
      %rem3A_538 = arith.remsi %scan3A_30, %select_n3A_537 : i32
      %ne3A_539 = arith.constant 0 : i32
      %ne3A_540 = arith.cmpi ne, %rem3A_538, %ne3A_539 : i32
      %lt3A_541 = arith.constant 0 : i32
      %lt3A_542 = arith.cmpi slt, %rem3A_538, %lt3A_541 : i32
      %lt3A_543 = arith.constant 0 : i32
      %lt3A_544 = arith.cmpi slt, %select_n3A_537, %lt3A_543 : i32
      %ne3A_545 = arith.xori %lt3A_542, %lt3A_544 : i1
      %and3A_546 = arith.andi %ne3A_545, %ne3A_540 : i1
      %add3A_547 = arith.addi %rem3A_538, %select_n3A_537 : i32
      %select_n3A_548 = arith.select %and3A_546, %add3A_547, %rem3A_538 : i32
      %dma_start3A_549 = arith.constant 1 : i32
      %dma_start3A_550 = arith.constant 0 : i32
      %dma_start3A_551 = tpu.memref_slice %arg8[%dma_start3A_549, %dma_start3A_550] : memref<2x4096xi32, #tpu.memory_space<vmem>> -> memref<1x4096xi32, #tpu.memory_space<vmem>>
      %dma_start3A_552 = tpu.memref_squeeze %dma_start3A_551 : memref<1x4096xi32, #tpu.memory_space<vmem>> -> memref<4096xi32, #tpu.memory_space<vmem>>
      %dma_start3A_553 = arith.constant 12288 : i32
      %dma_start3A_554 = tpu.memref_slice %arg11[%select_n3A_548, %dma_start3A_553] : memref<2x16384xi32, #tpu.memory_space<vmem_shared>> -> memref<1x4096xi32, #tpu.memory_space<vmem_shared>>
      %dma_start3A_555 = tpu.memref_squeeze %dma_start3A_554 : memref<1x4096xi32, #tpu.memory_space<vmem_shared>> -> memref<4096xi32, #tpu.memory_space<vmem_shared>>
      %dma_start3A_556 = arith.constant 0 : i32
      %dma_start3A_557 = tpu.memref_slice %arg8[%dma_start3A_549, %dma_start3A_556] : memref<2x4096xi32, #tpu.memory_space<vmem>> -> memref<1x4096xi32, #tpu.memory_space<vmem>>
      %dma_start3A_558 = tpu.memref_squeeze %dma_start3A_557 : memref<1x4096xi32, #tpu.memory_space<vmem>> -> memref<4096xi32, #tpu.memory_space<vmem>>
      %dma_start3A_559 = arith.constant 12288 : i32
      %dma_start3A_560 = tpu.memref_slice %arg11[%select_n3A_548, %dma_start3A_559] : memref<2x16384xi32, #tpu.memory_space<vmem_shared>> -> memref<1x4096xi32, #tpu.memory_space<vmem_shared>>
      %dma_start3A_561 = tpu.memref_squeeze %dma_start3A_560 : memref<1x4096xi32, #tpu.memory_space<vmem_shared>> -> memref<4096xi32, #tpu.memory_space<vmem_shared>>
      tpu.enqueue_dma source(%dma_start3A_561 : memref<4096xi32, #tpu.memory_space<vmem_shared>>) target(%dma_start3A_558 : memref<4096xi32, #tpu.memory_space<vmem>>) target_semaphore(%arg14 : memref<!tpu.dma_semaphore, #tpu.memory_space<semaphore_mem>>)
      %jit3A_562 = arith.constant 2 : i32
      %eq3A_563 = arith.constant 0 : i32
      %eq3A_564 = arith.cmpi eq, %jit3A_562, %eq3A_563 : i32
      %jit3A_565 = arith.constant 1 : i32
      %select_n3A_566 = arith.select %eq3A_564, %jit3A_565, %jit3A_562 : i32
      %rem3A_567 = arith.remsi %scan3A_30, %select_n3A_566 : i32
      %ne3A_568 = arith.constant 0 : i32
      %ne3A_569 = arith.cmpi ne, %rem3A_567, %ne3A_568 : i32
      %lt3A_570 = arith.constant 0 : i32
      %lt3A_571 = arith.cmpi slt, %rem3A_567, %lt3A_570 : i32
      %lt3A_572 = arith.constant 0 : i32
      %lt3A_573 = arith.cmpi slt, %select_n3A_566, %lt3A_572 : i32
      %ne3A_574 = arith.xori %lt3A_571, %lt3A_573 : i1
      %and3A_575 = arith.andi %ne3A_574, %ne3A_569 : i1
      %add3A_576 = arith.addi %rem3A_567, %select_n3A_566 : i32
      %select_n3A_577 = arith.select %and3A_575, %add3A_576, %rem3A_567 : i32
      %dma_wait3A_578 = arith.constant 0 : i32
      %dma_wait3A_579 = arith.constant 0 : i32
      %dma_wait3A_580 = tpu.memref_slice %arg8[%dma_wait3A_578, %dma_wait3A_579] : memref<2x4096xi32, #tpu.memory_space<vmem>> -> memref<1x4096xi32, #tpu.memory_space<vmem>>
      %dma_wait3A_581 = tpu.memref_squeeze %dma_wait3A_580 : memref<1x4096xi32, #tpu.memory_space<vmem>> -> memref<4096xi32, #tpu.memory_space<vmem>>
      %dma_wait3A_582 = arith.constant 8192 : i32
      %dma_wait3A_583 = tpu.memref_slice %arg11[%select_n3A_577, %dma_wait3A_582] : memref<2x16384xi32, #tpu.memory_space<vmem_shared>> -> memref<1x4096xi32, #tpu.memory_space<vmem_shared>>
      %dma_wait3A_584 = tpu.memref_squeeze %dma_wait3A_583 : memref<1x4096xi32, #tpu.memory_space<vmem_shared>> -> memref<4096xi32, #tpu.memory_space<vmem_shared>>
      %dma_wait3A_585 = arith.constant 0 : i32
      %dma_wait3A_586 = tpu.memref_slice %arg8[%dma_wait3A_578, %dma_wait3A_585] : memref<2x4096xi32, #tpu.memory_space<vmem>> -> memref<1x4096xi32, #tpu.memory_space<vmem>>
      %dma_wait3A_587 = tpu.memref_squeeze %dma_wait3A_586 : memref<1x4096xi32, #tpu.memory_space<vmem>> -> memref<4096xi32, #tpu.memory_space<vmem>>
      %dma_wait3A_588 = arith.constant 8192 : i32
      %dma_wait3A_589 = tpu.memref_slice %arg11[%select_n3A_577, %dma_wait3A_588] : memref<2x16384xi32, #tpu.memory_space<vmem_shared>> -> memref<1x4096xi32, #tpu.memory_space<vmem_shared>>
      %dma_wait3A_590 = tpu.memref_squeeze %dma_wait3A_589 : memref<1x4096xi32, #tpu.memory_space<vmem_shared>> -> memref<4096xi32, #tpu.memory_space<vmem_shared>>
      tpu.wait_dma2 semaphore(%arg14 : memref<!tpu.dma_semaphore, #tpu.memory_space<semaphore_mem>>) src(%dma_wait3A_590 : memref<4096xi32, #tpu.memory_space<vmem_shared>>) dst(%dma_wait3A_587 : memref<4096xi32, #tpu.memory_space<vmem>>)
      %parallel_loop3A_591 = arith.constant 0 : i32
      %parallel_loop3A_592 = arith.constant 256 : i32
      %parallel_loop3A_593 = arith.constant 1 : i32
      scf.for %parallel_loop3A_626 = %parallel_loop3A_591 to %parallel_loop3A_592 step %parallel_loop3A_593  : i32 {
        %parallel_loop3A_627 = arith.constant 16 : i32
        %parallel_loop3A_628 = arith.muli %parallel_loop3A_626, %parallel_loop3A_627 : i32
        %parallel_loop3A_629 = arith.constant 0 : i32
        %parallel_loop3A_630 = arith.index_cast %parallel_loop3A_629 : i32 to index
        %parallel_loop3A_631 = arith.index_cast %parallel_loop3A_628 : i32 to index
        %parallel_loop3A_632 = tpu.vector_load %arg8[%parallel_loop3A_630, %parallel_loop3A_631] {strides = array<i32>} : memref<2x4096xi32, #tpu.memory_space<vmem>>, vector<16xi32>,
        %parallel_loop3A_633 = arith.constant 50048 : i32
        %parallel_loop3A_634 = vector.broadcast %parallel_loop3A_633 : i32 to vector<16xi32>
        %parallel_loop3A_635 = arith.subi %parallel_loop3A_632, %parallel_loop3A_634 : vector<16xi32>
        %parallel_loop3A_636 = vector.bitcast %parallel_loop3A_635 : vector<16xi32> to vector<16xi32>
        %parallel_loop3A_637 = arith.constant 49952 : i32
        %parallel_loop3A_638 = vector.broadcast %parallel_loop3A_637 : i32 to vector<16xi32>
        %parallel_loop3A_639 = arith.cmpi ult, %parallel_loop3A_636, %parallel_loop3A_638 : vector<16xi32>
        %parallel_loop3A_640 = tpu.vector_load_idx %arg7[%parallel_loop3A_635] masked %parallel_loop3A_639 : memref<50048xf32, #tpu.memory_space<vmem>>[vector<16xi32>], vector<16xf32>, vector<16xi1>
        %parallel_loop3A_641 = arith.constant 0.000000e+00 : f32
        %parallel_loop3A_642 = vector.broadcast %parallel_loop3A_641 : f32 to vector<16xf32>
        %parallel_loop3A_643 = arith.select %parallel_loop3A_639, %parallel_loop3A_640, %parallel_loop3A_642 : vector<16xi1>, vector<16xf32>
        %parallel_loop3A_644 = arith.constant 16 : i32
        %parallel_loop3A_645 = arith.muli %parallel_loop3A_626, %parallel_loop3A_644 : i32
        %parallel_loop3A_646 = arith.constant 8192 : i32
        %parallel_loop3A_647 = arith.addi %parallel_loop3A_646, %parallel_loop3A_645 : i32
        %parallel_loop3A_648 = arith.index_cast %parallel_loop3A_647 : i32 to index
        %parallel_loop3A_649 = tpu.vector_load %arg9[%parallel_loop3A_648] {strides = array<i32>} : memref<16384xf32, #tpu.memory_space<vmem>>, vector<16xf32>,
        %parallel_loop3A_650 = arith.addf %parallel_loop3A_649, %parallel_loop3A_643 : vector<16xf32>
        %parallel_loop3A_651 = arith.index_cast %parallel_loop3A_647 : i32 to index
        %parallel_loop3A_652 = tpu.vector_load %arg9[%parallel_loop3A_651] {strides = array<i32>} : memref<16384xf32, #tpu.memory_space<vmem>>, vector<16xf32>,
        tpu.vector_store %arg9[%parallel_loop3A_651], %parallel_loop3A_650 {strides = array<i32>} : memref<16384xf32, #tpu.memory_space<vmem>>, vector<16xf32>,
      } {sc.loop_unroll_factor = 8 : i64, sc.parallel_access}
      %jit3A_594 = arith.constant 2 : i32
      %eq3A_595 = arith.constant 0 : i32
      %eq3A_596 = arith.cmpi eq, %jit3A_594, %eq3A_595 : i32
      %jit3A_597 = arith.constant 1 : i32
      %select_n3A_598 = arith.select %eq3A_596, %jit3A_597, %jit3A_594 : i32
      %rem3A_599 = arith.remsi %scan3A_30, %select_n3A_598 : i32
      %ne3A_600 = arith.constant 0 : i32
      %ne3A_601 = arith.cmpi ne, %rem3A_599, %ne3A_600 : i32
      %lt3A_602 = arith.constant 0 : i32
      %lt3A_603 = arith.cmpi slt, %rem3A_599, %lt3A_602 : i32
      %lt3A_604 = arith.constant 0 : i32
      %lt3A_605 = arith.cmpi slt, %select_n3A_598, %lt3A_604 : i32
      %ne3A_606 = arith.xori %lt3A_603, %lt3A_605 : i1
      %and3A_607 = arith.andi %ne3A_606, %ne3A_601 : i1
      %add3A_608 = arith.addi %rem3A_599, %select_n3A_598 : i32
      %select_n3A_609 = arith.select %and3A_607, %add3A_608, %rem3A_599 : i32
      %dma_wait3A_610 = arith.constant 1 : i32
      %dma_wait3A_611 = arith.constant 0 : i32
      %dma_wait3A_612 = tpu.memref_slice %arg8[%dma_wait3A_610, %dma_wait3A_611] : memref<2x4096xi32, #tpu.memory_space<vmem>> -> memref<1x4096xi32, #tpu.memory_space<vmem>>
      %dma_wait3A_613 = tpu.memref_squeeze %dma_wait3A_612 : memref<1x4096xi32, #tpu.memory_space<vmem>> -> memref<4096xi32, #tpu.memory_space<vmem>>
      %dma_wait3A_614 = arith.constant 12288 : i32
      %dma_wait3A_615 = tpu.memref_slice %arg11[%select_n3A_609, %dma_wait3A_614] : memref<2x16384xi32, #tpu.memory_space<vmem_shared>> -> memref<1x4096xi32, #tpu.memory_space<vmem_shared>>
      %dma_wait3A_616 = tpu.memref_squeeze %dma_wait3A_615 : memref<1x4096xi32, #tpu.memory_space<vmem_shared>> -> memref<4096xi32, #tpu.memory_space<vmem_shared>>
      %dma_wait3A_617 = arith.constant 0 : i32
      %dma_wait3A_618 = tpu.memref_slice %arg8[%dma_wait3A_610, %dma_wait3A_617] : memref<2x4096xi32, #tpu.memory_space<vmem>> -> memref<1x4096xi32, #tpu.memory_space<vmem>>
      %dma_wait3A_619 = tpu.memref_squeeze %dma_wait3A_618 : memref<1x4096xi32, #tpu.memory_space<vmem>> -> memref<4096xi32, #tpu.memory_space<vmem>>
      %dma_wait3A_620 = arith.constant 12288 : i32
      %dma_wait3A_621 = tpu.memref_slice %arg11[%select_n3A_609, %dma_wait3A_620] : memref<2x16384xi32, #tpu.memory_space<vmem_shared>> -> memref<1x4096xi32, #tpu.memory_space<vmem_shared>>
      %dma_wait3A_622 = tpu.memref_squeeze %dma_wait3A_621 : memref<1x4096xi32, #tpu.memory_space<vmem_shared>> -> memref<4096xi32, #tpu.memory_space<vmem_shared>>
      tpu.wait_dma2 semaphore(%arg14 : memref<!tpu.dma_semaphore, #tpu.memory_space<semaphore_mem>>) src(%dma_wait3A_622 : memref<4096xi32, #tpu.memory_space<vmem_shared>>) dst(%dma_wait3A_619 : memref<4096xi32, #tpu.memory_space<vmem>>)
      %parallel_loop3A_623 = arith.constant 0 : i32
      %parallel_loop3A_624 = arith.constant 256 : i32
      %parallel_loop3A_625 = arith.constant 1 : i32
      scf.for %parallel_loop3A_626 = %parallel_loop3A_623 to %parallel_loop3A_624 step %parallel_loop3A_625  : i32 {
        %parallel_loop3A_627 = arith.constant 16 : i32
        %parallel_loop3A_628 = arith.muli %parallel_loop3A_626, %parallel_loop3A_627 : i32
        %parallel_loop3A_629 = arith.constant 1 : i32
        %parallel_loop3A_630 = arith.index_cast %parallel_loop3A_629 : i32 to index
        %parallel_loop3A_631 = arith.index_cast %parallel_loop3A_628 : i32 to index
        %parallel_loop3A_632 = tpu.vector_load %arg8[%parallel_loop3A_630, %parallel_loop3A_631] {strides = array<i32>} : memref<2x4096xi32, #tpu.memory_space<vmem>>, vector<16xi32>,
        %parallel_loop3A_633 = arith.constant 50048 : i32
        %parallel_loop3A_634 = vector.broadcast %parallel_loop3A_633 : i32 to vector<16xi32>
        %parallel_loop3A_635 = arith.subi %parallel_loop3A_632, %parallel_loop3A_634 : vector<16xi32>
        %parallel_loop3A_636 = vector.bitcast %parallel_loop3A_635 : vector<16xi32> to vector<16xi32>
        %parallel_loop3A_637 = arith.constant 49952 : i32
        %parallel_loop3A_638 = vector.broadcast %parallel_loop3A_637 : i32 to vector<16xi32>
        %parallel_loop3A_639 = arith.cmpi ult, %parallel_loop3A_636, %parallel_loop3A_638 : vector<16xi32>
        %parallel_loop3A_640 = tpu.vector_load_idx %arg7[%parallel_loop3A_635] masked %parallel_loop3A_639 : memref<50048xf32, #tpu.memory_space<vmem>>[vector<16xi32>], vector<16xf32>, vector<16xi1>
        %parallel_loop3A_641 = arith.constant 0.000000e+00 : f32
        %parallel_loop3A_642 = vector.broadcast %parallel_loop3A_641 : f32 to vector<16xf32>
        %parallel_loop3A_643 = arith.select %parallel_loop3A_639, %parallel_loop3A_640, %parallel_loop3A_642 : vector<16xi1>, vector<16xf32>
        %parallel_loop3A_644 = arith.constant 16 : i32
        %parallel_loop3A_645 = arith.muli %parallel_loop3A_626, %parallel_loop3A_644 : i32
        %parallel_loop3A_646 = arith.constant 12288 : i32
        %parallel_loop3A_647 = arith.addi %parallel_loop3A_646, %parallel_loop3A_645 : i32
        %parallel_loop3A_648 = arith.index_cast %parallel_loop3A_647 : i32 to index
        %parallel_loop3A_649 = tpu.vector_load %arg9[%parallel_loop3A_648] {strides = array<i32>} : memref<16384xf32, #tpu.memory_space<vmem>>, vector<16xf32>,
        %parallel_loop3A_650 = arith.addf %parallel_loop3A_649, %parallel_loop3A_643 : vector<16xf32>
        %parallel_loop3A_651 = arith.index_cast %parallel_loop3A_647 : i32 to index
        %parallel_loop3A_652 = tpu.vector_load %arg9[%parallel_loop3A_651] {strides = array<i32>} : memref<16384xf32, #tpu.memory_space<vmem>>, vector<16xf32>,
        tpu.vector_store %arg9[%parallel_loop3A_651], %parallel_loop3A_650 {strides = array<i32>} : memref<16384xf32, #tpu.memory_space<vmem>>, vector<16xf32>,
      } {sc.loop_unroll_factor = 8 : i64, sc.parallel_access}
    }
    %scan3A_29 = arith.constant 26 : i32
    "tpu.region"() ({
      %run_scoped3A = tpu.sem_alloc : memref<!tpu.dma_semaphore, #tpu.memory_space<semaphore_mem>>
      %dma_start3A_30 = arith.constant 0 : i32
      %dma_start3A_31 = tpu.memref_slice %arg5[%add3A, %dma_start3A_30] : memref<32x16384xf32, #tpu.memory_space<hbm>> -> memref<1x16384xf32, #tpu.memory_space<hbm>>
      %dma_start3A_32 = tpu.memref_squeeze %dma_start3A_31 : memref<1x16384xf32, #tpu.memory_space<hbm>> -> memref<16384xf32, #tpu.memory_space<hbm>>
      %dma_start3A_33 = arith.constant 0 : i32
      %dma_start3A_34 = tpu.memref_slice %arg5[%add3A, %dma_start3A_33] : memref<32x16384xf32, #tpu.memory_space<hbm>> -> memref<1x16384xf32, #tpu.memory_space<hbm>>
      %dma_start3A_35 = tpu.memref_squeeze %dma_start3A_34 : memref<1x16384xf32, #tpu.memory_space<hbm>> -> memref<16384xf32, #tpu.memory_space<hbm>>
      tpu.enqueue_dma source(%arg9 : memref<16384xf32, #tpu.memory_space<vmem>>) target(%dma_start3A_35 : memref<16384xf32, #tpu.memory_space<hbm>>) target_semaphore(%run_scoped3A : memref<!tpu.dma_semaphore, #tpu.memory_space<semaphore_mem>>)
      %dma_wait3A = arith.constant 0 : i32
      %dma_wait3A_36 = tpu.memref_slice %arg5[%add3A, %dma_wait3A] : memref<32x16384xf32, #tpu.memory_space<hbm>> -> memref<1x16384xf32, #tpu.memory_space<hbm>>
      %dma_wait3A_37 = tpu.memref_squeeze %dma_wait3A_36 : memref<1x16384xf32, #tpu.memory_space<hbm>> -> memref<16384xf32, #tpu.memory_space<hbm>>
      %dma_wait3A_38 = arith.constant 0 : i32
      %dma_wait3A_39 = tpu.memref_slice %arg5[%add3A, %dma_wait3A_38] : memref<32x16384xf32, #tpu.memory_space<hbm>> -> memref<1x16384xf32, #tpu.memory_space<hbm>>
      %dma_wait3A_40 = tpu.memref_squeeze %dma_wait3A_39 : memref<1x16384xf32, #tpu.memory_space<hbm>> -> memref<16384xf32, #tpu.memory_space<hbm>>
      tpu.wait_dma2 semaphore(%run_scoped3A : memref<!tpu.dma_semaphore, #tpu.memory_space<semaphore_mem>>) src(%arg9 : memref<16384xf32, #tpu.memory_space<vmem>>) dst(%dma_wait3A_40 : memref<16384xf32, #tpu.memory_space<hbm>>)
      tpu.yield
    }) : () -> ()
    return
  }
}

</mosaic_0001>

<sc_bundles>
// kernel: kernel.3.cloned.1.call-start
scs
__scs_entry_jumppad:
0x0: {  	(pc) =	sbr.rel $0x88, $3  }
0x1: {  	(tag) =	ssettag $0x0;
	lr =	simm.s32 $0x1  }
0x2: {  	[smem:$0x3F9F] =	sst lr;
	_ =	strace $0xD0000000  }
0x3: {  	_ = 	snop  }
0x4: {  	_ = 	snop  }
0x5: {  	_ = 	snop  }
0x6: {  	_ = 	snop  }
0x7: {  	_ = 	snop  }
__scs_overlays_trampoline_lowered:
0x8: {  	[smem:$0x3FAE] =	sst s0  }
0x9: {  	[smem:$0x3FAF] =	sst s1  }
0xa: {  	[smem:$0x3FB0] =	sst s2  }
0xb: {  	[smem:$0x3FB1] =	sst s3  }
0xc: {  	[smem:$0x3FB2] =	sst s4  }
0xd: {  	[smem:$0x3FB3] =	sst s5  }
0xe: {  	[smem:$0x3FB4] =	sst s6  }
0xf: {  	[smem:$0x3FB5] =	sst s7  }
0x10: {  	[smem:$0x3FB6] =	sst s8  }
0x11: {  	[smem:$0x3FB7] =	sst s9;
	s0 =	simm.s32 @!p0 $0x0  }
0x12: {  	s1 =	sld [smem:$0x3F9D];
	s0 =	simm.s32 @p0 $0x1  }
0x13: {  	[smem:$0x3FB8] =	sst s0;
	s0 =	simm.s32 @!p1 $0x0  }
0x14: {  	s2 =	sld [smem:$0x3F9C];
	s0 =	simm.s32 @p1 $0x1  }
0x15: {  	[smem:$0x3FB9] =	sst s0;
	s0 =	simm.s32 @!p2 $0x0  }
0x16: {  	s3 =	sld [smem:$0x3FDB];
	s0 =	simm.s32 @p2 $0x1  }
0x17: {  	s4 =	simm.s32 $0x1BF5;
	[smem:$0x3FBB] =	sst s0  }
0x18: {  	s0 =	sld [smem:$0x3F9E];
	_ =	swait.ge [sflag:s4], $0x0  }
0x19: {  	s7 =	sld [smem:$0x3F9F]  }
0x1a: {  	s8 =	sadd.s32 $0xFFFFE003, lr  }
0x1b: {  	s9 =	sadd.s32 $0xFFFFFEF7, lr;
	s5 =	simm.s32 $0xFFFFFFFF;
	p2 =	slt.u32 s8, $0xFFFFF086  }
0x1c: {  	p1 =	slt.u32 s9, $0xF7A;
	s5 =	simm.s32 @!p2 $0x0  }
0x1d: {  	s5 =	simm.s32 @p1 $0x1;
	p0 =	seq.s32 s7, s2  }
0x1e: {  	s7 =	smul.u32 @!p0 $0xF7A, s2;
	p2 =	seq.s32 @!p0 s5, $0x0  }
0x1f: {  	s9 =	smul.u32 $0xF7A, s1;
	s8 =	simm.s32 @!p0 $0x1BF5;
	p2 =	por !p2, p0  }
0x20: {  	[sflag:s8] =	ssyncset.s32 @!p0 $0xFFFFF086;
	s6 =	sadd.s32 @!p0 s3, s7;
	s7 =	simm.s32 @!p0 $0x108  }
0x21: {  	s3 =	sadd.s32 s3, s9;
	s6 =	sadd.s32 @!p0 $0x88, s6;
	s7 =	simm.s32 @p2 $0x1082  }
0x22: {  	[simem:s7], [sflag:s8] =	dma.local @!p0 [hbm:s6], $0xF7A  }
0x23: {  	s9 =	sor.u32 $0xD0000000, s2;
	s6 =	simm.s32 $0x108;
	_ =	swait.ge @!p0 [sflag:s8], $0x0  }
0x24: {  	s3 =	sadd.s32 $0x88, s3;
	s6 =	simm.s32 @!p1 $0x1082;
	[sflag:s4] =	ssyncset.s32 $0xFFFFF086  }
0x25: {  	[simem:s6], [sflag:s4] =	dma.local [hbm:s3], $0xF7A  }
0x26: {  	[smem:$0x3F9F] =	sst s1;
	(tag) =	ssettag s2;
	_ =	strace s9  }
0x27: {  	s1 =	sld [smem:$0x3FAF]  }
0x28: {  	s2 =	sld [smem:$0x3FB0]  }
0x29: {  	s4 =	sld [smem:$0x3FB2]  }
0x2a: {  	p0 =	seq.s32 s5, $0x0;
	s5 =	sld [smem:$0x3FB3]  }
0x2b: {  	s6 =	sld [smem:$0x3FB4]  }
0x2c: {  	s7 =	sld [smem:$0x3FB5]  }
0x2d: {  	s3 =	simm.s32 $0x108;
	s8 =	sld [smem:$0x3FB6]  }
0x2e: {  	s3 =	simm.s32 @!p0 $0x1082;
	s9 =	sld [smem:$0x3FB7]  }
0x2f: {  	lr =	sadd.s32 s0, s3;
	s0 =	sld [smem:$0x3FAE]  }
0x30: {  	s3 =	sld [smem:$0x3FB1]  }
0x31: {  	[smem:$0x3FBA] =	sst s10  }
0x32: {  	s10 =	sld [smem:$0x3FB8];
	_ =	sdelay $0x3  }
0x33: {  	p0 =	seq.s32 s10, $0x1;
	s10 =	sld [smem:$0x3FBA];
	_ =	sdelay $0x3  }
0x34: {  	[smem:$0x3FBA] =	sst s10  }
0x35: {  	s10 =	sld [smem:$0x3FB9];
	_ =	sdelay $0x3  }
0x36: {  	p1 =	seq.s32 s10, $0x1;
	s10 =	sld [smem:$0x3FBA];
	_ =	sdelay $0x3  }
0x37: {  	[smem:$0x3FBA] =	sst s10  }
0x38: {  	s10 =	sld [smem:$0x3FBB]  }
0x39: {  	_ = 	snop;
	(pc) =	sbr.ind lr, $3  }
0x3a: {  	_ = 	snop  }
0x3b: {  	_ = 	snop  }
0x3c: {  	p2 =	seq.s32 s10, $0x1;
	s10 =	sld [smem:$0x3FBA]  }
0x3d: {  	_ =	shalt  }
0x3e: {  	_ =	shalt  }
0x3f: {  	_ =	shalt  }
0x40: {  	_ =	shalt  }
0x41: {  	_ =	shalt  }
0x42: {  	_ =	shalt  }
0x43: {  	_ =	shalt  }
0x44: {  	_ =	shalt  }
0x45: {  	_ =	shalt  }
0x46: {  	_ =	shalt  }
0x47: {  	_ =	shalt  }
0x48: {  	_ =	shalt  }
0x49: {  	_ =	shalt  }
0x4a: {  	_ =	shalt  }
0x4b: {  	_ =	shalt  }
0x4c: {  	_ =	shalt  }
0x4d: {  	_ =	shalt  }
0x4e: {  	_ =	shalt  }
0x4f: {  	_ =	shalt  }
0x50: {  	_ =	shalt  }
0x51: {  	_ =	shalt  }
0x52: {  	_ =	shalt  }
0x53: {  	_ =	shalt  }
0x54: {  	_ =	shalt  }
0x55: {  	_ =	shalt  }
0x56: {  	_ =	shalt  }
0x57: {  	_ =	shalt  }
0x58: {  	_ =	shalt  }
0x59: {  	_ =	shalt  }
0x5a: {  	_ =	shalt  }
0x5b: {  	_ =	shalt  }
0x5c: {  	_ =	shalt  }
0x5d: {  	_ =	shalt  }
0x5e: {  	_ =	shalt  }
0x5f: {  	_ =	shalt  }
0x60: {  	_ =	shalt  }
0x61: {  	_ =	shalt  }
0x62: {  	_ =	shalt  }
0x63: {  	_ =	shalt  }
0x64: {  	_ =	shalt  }
0x65: {  	_ =	shalt  }
0x66: {  	_ =	shalt  }
0x67: {  	_ =	shalt  }
0x68: {  	_ =	shalt  }
0x69: {  	_ =	shalt  }
0x6a: {  	_ =	shalt  }
0x6b: {  	_ =	shalt  }
0x6c: {  	_ =	shalt  }
0x6d: {  	_ =	shalt  }
0x6e: {  	_ =	shalt  }
0x6f: {  	_ =	shalt  }
0x70: {  	_ =	shalt  }
0x71: {  	_ =	shalt  }
0x72: {  	_ =	shalt  }
0x73: {  	_ =	shalt  }
0x74: {  	_ =	shalt  }
0x75: {  	_ =	shalt  }
0x76: {  	_ =	shalt  }
0x77: {  	_ =	shalt  }
0x78: {  	_ =	shalt  }
0x79: {  	_ =	shalt  }
0x7a: {  	_ =	shalt  }
0x7b: {  	_ =	shalt  }
0x7c: {  	_ =	shalt  }
0x7d: {  	_ =	shalt  }
0x7e: {  	_ =	shalt  }
0x7f: {  	_ =	shalt  }
0x80: {  	_ =	shalt  }
0x81: {  	_ =	shalt  }
0x82: {  	_ =	shalt  }
0x83: {  	_ =	shalt  }
0x84: {  	_ =	shalt  }
0x85: {  	_ =	shalt  }
0x86: {  	_ =	shalt  }
0x87: {  	_ =	shalt  }
.Lfunc_end0:
.L_simem_size_0:
called_computation_lowered:
.L_overlay_start_0:
0x88: {  	s2 =	sld [smem:$0x3FD9]  }
0x89: {  	s3 =	sld [smem:$0x3FFE];
	_ =	sdelay $0x1  }
0x8a: {  	s1 =	srdreg.scid  }
0x8b: {  	s0 =	sand.u32 $0x1, s1  }
0x8c: {  	s17 =	sshll.u32 s0, $0xA;
	s2 =	sadd.s32 s3, s2  }
0x8d: {  	s2 =	sadd.s32 s2, s17  }
0x8e: {  	[smem:$0x3FC6] =	sst s2  }
0x8f: {  	_ = 	snop  }
0x90: {  	s2 =	sld [smem:$0x3FC9]  }
0x91: {  	s18 =	sld [smem:$0x3FC8]  }
0x92: {  	s4 =	sld [smem:$0x3FD0];
	(tm) =	ssettm $0x1  }
0x93: {  	s5 =	sld [smem:$0x3FFB];
	_ =	sdelay $0x3  }
0x94: {  	_ =	strace s5  }
0x95: {  	s5 =	sld [smem:$0x3FFC];
	_ =	sdelay $0x3  }
0x96: {  	_ =	strace s5  }
0x97: {  	s5 =	sld [smem:$0x3FFD];
	_ =	sdelay $0x3  }
0x98: {  	_ =	strace s5  }
0x99: {  	_ =	strace $0x8FFFFFFF  }
0x9a: {  	s19 =	sld [smem:$0x3FDB];
	_ =	sdelay $0x1  }
0x9b: {  	s6 =	simm.s32 $_scs_section_size  }
0x9c: {  	s7 =	simm.s32 $_size__tile_overlayer_lowered;
	s8 =	simm.s32 $_tile_overlayer_lowered  }
0x9d: {  	s22 =	simm.s32 $0x1BFF;
	s21 =	sshll.u32 s8, $0x1;
	s5 =	sadd.s32 s6, s19  }
0x9e: {  	s9 =	simm.s32 $0x0;
	s20 =	sshll.u32 s7, $0x1;
	s7 =	sadd.s32 s21, s5  }
0x9f: {  	[timem:s9], [sflag:s22] =	dma.local [hbm:s7], s20  }
0xa0: {  	_ =	swait.ge [sflag:s22], s20  }
0xa1: {  	s6 =	ssub.s32 $0x0, s20;
	[sflag:s22] =	ssyncset.done $0x0  }
0xa2: {  	[sflag:s22] =	ssyncadd.s32 s6;
	_ =	sdelay $0x1  }
0xa3: {  	s23 =	simm.s32 $0x1B8B  }
0xa4: {  	_ =	swait.ge [sflag:s23], $0x1  }
0xa5: {  	[sflag:s23] =	ssyncset.done $0x0  }
0xa6: {  	s25 =	simm.s32 $0x1B8E;
	s24 =	sld [smem:$0x3FFE];
	[sflag:s23] =	ssyncadd.s32 $0xFFFFFFFF  }
0xa7: {  	s26 =	simm.s32 $execute0_lowered;
	[smem:$0x3FD2] =	sst s25  }
0xa8: {  	s7 =	sshll.u32 s26, $0x1;
	_ =	strace $0x80000046;
	[dreg:$0x1] =	wrdreg $0xFFFFFFFF  }
0xa9: {  	s28 =	simm.s32 $_size_execute0_lowered;
	s5 =	sadd.s32 s5, s7;
	[dreg:$0x0] =	wrdreg $0x0  }
0xaa: {  	s7 =	sshll.u32 s28, $0x1;
	[dreg:$0x2] =	wrdreg s5  }
0xab: {  	[dreg:$0x3] =	wrdreg s7  }
0xac: {  	[dreg:$0x4] =	wrdreg $0xC0  }
0xad: {  	_ =	task [dreg:s9], $0x5FFFF  }
0xae: {  	[dreg:$0x1] =	wrdreg $0xFFFFFFFF  }
0xaf: {  	[dreg:$0x0] =	wrdreg $0x60  }
0xb0: {  	[dreg:$0x2] =	wrdreg s18  }
0xb1: {  	[dreg:$0x3] =	wrdreg s2  }
0xb2: {  	[dreg:$0x4] =	wrdreg s24  }
0xb3: {  	[dreg:$0x5] =	wrdreg s4  }
0xb4: {  	[dreg:$0x6] =	wrdreg $0x1F7000  }
0xb5: {  	[dreg:$0x7] =	wrdreg $0x9  }
0xb6: {  	_ =	task.clear_ibuf [dreg:s9], $0x8FFFF;
	_ =	strace $0x90000046  }
0xb7: {  	s29 =	simm.s32 $0x9;
	_ =	strace $0x80000048  }
0xb8: {  	_ =	swait.ge [sflag:s29], $0x1  }
0xb9: {  	[sflag:s29] =	ssyncadd.s32 $0xFFFFFFFF  }
0xba: {  	_ =	strace $0x90000048  }
0xbb: {  	_ =	sfence  }
0xbc: {  	s30 =	sld [smem:$0x0];
	_ =	sdelay $0x2  }
0xbd: {  	s31 =	sshll.u32 s1, $0xD;
	s1 =	sshrl.u32 s1, $0x2  }
0xbe: {  	s3 =	sand.u32 $0x4000, s31;
	s1 =	sadd.s32 s1, s30  }
0xbf: {  	s0 =	sor.u32 s3, s0;
	s1 =	sshll.u32 s1, $0x11  }
0xc0: {  	s0 =	sor.u32 s1, s0  }
0xc1: {  	s0 =	sadd.s32 $0x8F2B, s0  }
0xc2: {  	[sflag:s0] =	ssyncadd.remote.s32 $0x1  }
0xc3: {  	_ =	sfence.sel $0xFFFF  }
0xc4: {  	[dreg:$0x0] =	wrdreg $0xFFFFFFFF;
	(pc) =	sbr.abs _section_cstart, $3  }
0xc5: {  	[dreg:$0x1] =	wrdreg $0xFFFFFFFF  }
0xc6: {  	_ =	task.clear_ibuf [dreg:s9], $0x2FFFF;
	_ =	strace $0x9FFFFFFF  }
0xc7: {  	(tm) =	ssettm $0x7FFFFFFF  }
tec
execute0_lowered:
.L_overlay_start_1:
0x0: {  	(tag) =	ssettag $0x1  }
0x1: {  	s1 =	rddreg [dreg:$0x0]  }
0x2: {  	s2 =	rddreg [dreg:$0x1]  }
0x3: {  	s0 =	rddreg [dreg:$0x2]  }
0x4: {  	s8 =	rddreg [dreg:$0x3]  }
0x5: {  	s3 =	rddreg [dreg:$0x4]  }
0x6: {  	s4 =	simm.s32 $0x0;
	s5 =	srdreg.scid;
	s12 =	stileid.u32  }
0x7: {  	s11 =	simm.s32 $0x400;
	s15 =	simm.s32 $0x1F300;
	s16 =	simm.s32 $0x5  }
0x8: {  	s17 =	simm.s32 $0x80;
	s18 =	simm.s32 $0xC380;
	s19 =	simm.s32 $0x1  }
0x9: {  	s20 =	simm.s32 $0x3;
	s21 =	simm.s32 $0x2;
	s22 =	simm.s32 $0x1A700  }
0xa: {  	s23 =	simm.s32 $0x0;
	[smem:$0x7FF] =	sst s4;
	s5 =	sand.u32 $0x1, s5  }
0xb: {  	s6 =	sshll.u32 s12, $0x8;
	s9 =	sshrl.u32 s12, $0x2;
	p0 =	sne.s32 s12, $0x0  }
0xc: {  	p1 =	seq.s32 s12, $0x0;
	s7 =	sshll.u32 s5, $0x7;
	_ =	strace $0x80000047  }
0xd: {  	s30 =	smul.u32 $0xC3800, s9;
	s5 =	ssub.s32 $0x2, s5;
	s6 =	sor.u32 s7, s6  }
0xe: {  	s10 =	sshrl.u32 s5, $0x1;
	s0 =	sadd.s32 s6, s0;
	s6 =	sand.u32 $0x380, s6  }
0xf: {  	s9 =	sshll.u32 s9, $0x11;
	s10 =	ssub.s32 s5, s10;
	s7 =	sor.u32 s30, s6  }
0x10: {  	s9 =	sor.u32 s9, s6;
	s6 =	sadd.s32 $0x400, s0;
	s5 =	sshrl.u32 s7, $0x3  }
0x11: {  	s31 =	sshrl.u32 s9, $0x3;
	s9 =	smax.u32 s10, $0x1;
	s10 =	sshrl.u32 @!p0 s3, $0x3  }
0x12: {  	v0 =	vimm.f32 $0.0e+00;
	s14 =	sadd.s32 $0x3000, s6;
	s7 =	sadd.s32 s1, s5;
	s8 =	sadd.s32 s8, s31  }
.LBB2_1:
0x13: {  	s0 =	simm.s32 @!p0 $0x1  }
0x14: {  	s12 =	simm.s32 @!p0 $0x20;
	s13 =	simm.s32 @!p0 $0x80;
	s24 =	simm.s32 @!p0 $0x1C04  }
0x15: {  	[spmem:s10@s12], [sflag:s24] =	dma.strided @!p0 [hbm:s2@s13], $0x800, s0, $0x10   }
0x16: {  	s0 =	simm.s32 $0x1A740  }
0x17: {  	[tilespmem:s0+$0xFFFFFFC0] =	vst v0  }
0x18: {  	[tilespmem:s0+$0x30] =	vst v0  }
0x19: {  	[tilespmem:s0+$0x20] =	vst v0  }
0x1a: {  	[tilespmem:s0+$0x10] =	vst v0  }
0x1b: {  	[tilespmem:s0+$0x0] =	vst v0  }
0x1c: {  	[tilespmem:s0+$0xFFFFFFF0] =	vst v0  }
0x1d: {  	s12 =	simm.s32 $0x0;
	[tilespmem:s0+$0xFFFFFFE0] =	vst v0  }
.LBB2_2:
0x1e: {  	s12 =	sadd.s32 $0x8, s12;
	[tilespmem:s0+$0xFFFFFFD0] =	vst v0;
	s0 =	sadd.s32 $0x80, s0  }
0x1f: {  	[tilespmem:s0+$0xFFFFFFC0] =	vst v0;
	p2 =	slt.u32 s12, $0x3F8  }
0x20: {  	[tilespmem:s0+$0x30] =	vst v0  }
.Ltmp0:
0x21: {  	[tilespmem:s0+$0x20] =	vst v0;
	(pc) =	sbr.rel @p2 .LBB2_2-.Ltmp0, $4  }
0x22: {  	[tilespmem:s0+$0x10] =	vst v0  }
0x23: {  	[tilespmem:s0+$0x0] =	vst v0  }
0x24: {  	[tilespmem:s0+$0xFFFFFFF0] =	vst v0  }
0x25: {  	[tilespmem:s0+$0xFFFFFFE0] =	vst v0  }
0x26: {  	[tilespmem:s0+$0xFFFFFFD0] =	vst v0;
	s31 =	simm.s32 $0x8000;
	s12 =	simm.s32 $0x1E700  }
0x27: {  	[tilespmem:s12], [sflag:$0x5] =	stream.strided.gather [hbm4b:s6+s11], $0xC00, s31, s11, $0x38;
	[tilespmem:$0x1FF00] =	vst v63  }
0x28: {  	s24 =	simm.s32 $0x0  }
0x29: {  	[tilespmem:s15], [sflag:$0x5] =	stream.linear.gather [hbm4b:s14+s24], $0x100, $0x38;
	[tilespmem:$0x1FF00] =	vst v63  }
0x2a: {  	_ =	swait.ge [sflag:s16], $0xD00  }
0x2b: {  	[sflag:s16] =	ssyncset.done $0x0  }
0x2c: {  	[sflag:s16] =	ssyncadd.s32 $0xFFFFF300  }
0x2d: {  	[tilespmem:s24], [sflag:$0x1] =	stream.strided.gather [hbm4b:s7+s17], $0xC380, s11, s17, $0x38;
	[tilespmem:$0x1FF00] =	vst v63  }
.LBB2_5:
0x2e: {  	s12 =	smul.u32 $0x30E000, s24;
	_ =	sdelay $0x1  }
0x2f: {  	s12 =	sshrl.u32 s12, $0x3  }
0x30: {  	s12 =	sadd.s32 s1, s12  }
0x31: {  	s12 =	sadd.s32 s5, s12  }
0x32: {  	s12 =	sadd.s32 $0xC380, s12  }
0x33: {  	[tilespmem:s18], [sflag:$0x2] =	stream.strided.gather [hbm4b:s12+s17], $0xC300, s11, s17, $0x38;
	[tilespmem:$0x1FF00] =	vst v63  }
0x34: {  	s0 =	smov.u32 s24;
	p3 =	seq.s32 @p1 s24, $0x19;
	s12 =	simm.s32 @p1 $0x4  }
0x35: {  	p4 =	por @p1 $0x0, $0x0;
	p2 =	por p3, !p1;
	_ =	swait.ge @p1 [sflag:s12], $0x800  }
0x36: {  	p3 =	por !p3, !p1;
	s30 =	sshll.u32 s0, $0x7;
	[sflag:s12] =	ssyncset.done @p1 $0x0  }
0x37: {  	s26 =	simm.s32 @!p2 $0x20;
	s28 =	simm.s32 @!p2 $0x80;
	[sflag:s12] =	ssyncadd.s32 @p1 $0xFFFFF800  }
0x38: {  	s29 =	simm.s32 @!p2 $0x1C04;
	s12 =	sadd.s32 @!p2 $0x1, s24;
	[bflag:$0x0] =	sbarrier.arrive @p1 $0xFFFF  }
0x39: {  	s13 =	sshll.u32 @!p2 s12, $0x4;
	s24 =	sshll.u32 @!p2 s12, $0x7;
	s25 =	sshll.u32 @!p2 s12, $0xB  }
0x3a: {  	s12 =	simm.s32 @!p3 $0x1A;
	s13 =	sand.u32 @!p2 $0x70, s13;
	s24 =	sand.u32 @!p2 $0x80, s24  }
0x3b: {  	s25 =	sand.u32 @!p2 $0x1C000, s25;
	s24 =	sadd.s32 @!p2 s24, s3;
	s13 =	sadd.s32 @!p2 s2, s13  }
0x3c: {  	s13 =	sadd.s32 @!p2 s25, s13;
	s24 =	sshrl.u32 @!p2 s24, $0x3;
	s25 =	simm.s32 @!p2 $0x1  }
0x3d: {  	[spmem:s24@s26], [sflag:s29] =	dma.strided @!p2 [hbm:s13@s28], $0x800, s25, $0x10   }
0x3e: {  	p2 =	por @!p2 $0x1, $0x1;
	s24 =	sadd.s32 @!p1 $0x1, s0;
	s13 =	simm.s32 $0x18700  }
0x3f: {  	p2 =	por @!p3 p4, p4;
	[bflag:$0x0] =	sbarrier.arrive @!p1 $0xFFFF;
	p3 =	sne.s32 @!p1 s0, $0x19  }
0x40: {  	s0 =	sand.u32 $0x80, s30;
	s24 =	smov.u32 @p1 s12;
	_ =	swait.ge [sflag:s19], $0xC380  }
0x41: {  	p2 =	por @!p1 p3, p3;
	s28 =	sadd.s32 s0, s3;
	[sflag:s19] =	ssyncset.done $0x0  }
0x42: {  	s0 =	simm.s32 $0x400;
	s12 =	sadd.s32 $0x0, s28;
	[sflag:s19] =	ssyncadd.s32 $0xFFFF3C80  }
.LBB2_6:
0x43: {  	[tilespmem:s13], [sflag:$0x3] =	stream.linear.gather [spmem:s12], $0x80, $0x38;
	[tilespmem:$0x1FF00] =	vst v63  }
0x44: {  	s12 =	smov.u32 s0;
	p3 =	sne.s32 s0, $0x7C00  }
.Ltmp1:
0x45: {  	s0 =	sadd.s32 $0x400, s0;
	(pc) =	sbr.rel @p3 .LBB2_6-.Ltmp1, $3  }
0x46: {  	_ =	sdelay $0x1  }
0x47: {  	s13 =	sshra.s32 s12, $0x2  }
0x48: {  	s12 =	sadd.s32 s13, s28;
	s13 =	sadd.s32 $0x18700, s13  }
0x49: {  	[tilespmem:s13], [sflag:$0x3] =	stream.linear.gather [spmem:s12], $0x80, $0x38;
	[tilespmem:$0x1FF00] =	vst v63  }
0x4a: {  	s29 =	sadd.s32 $0x2000, s28  }
0x4b: {  	s0 =	simm.s32 $0x400;
	s13 =	simm.s32 $0x18780;
	s12 =	sadd.s32 $0x0, s29  }
.LBB2_8:
0x4c: {  	[tilespmem:s13], [sflag:$0x3] =	stream.linear.gather [spmem:s12], $0x80, $0x38;
	[tilespmem:$0x1FF00] =	vst v63  }
0x4d: {  	s12 =	smov.u32 s0;
	p3 =	sne.s32 s0, $0x7C00  }
.Ltmp2:
0x4e: {  	s0 =	sadd.s32 $0x400, s0;
	(pc) =	sbr.rel @p3 .LBB2_8-.Ltmp2, $3  }
0x4f: {  	_ =	sdelay $0x1  }
0x50: {  	s13 =	sshra.s32 s12, $0x2  }
0x51: {  	s12 =	sadd.s32 s13, s29;
	s13 =	sadd.s32 $0x18780, s13  }
0x52: {  	[tilespmem:s13], [sflag:$0x3] =	stream.linear.gather [spmem:s12], $0x80, $0x38;
	[tilespmem:$0x1FF00] =	vst v63  }
0x53: {  	_ =	swait.ge [sflag:s20], $0x1000  }
0x54: {  	[sflag:s20] =	ssyncset.done $0x0  }
0x55: {  	s0 =	simm.s32 $0x18740;
	[sflag:s20] =	ssyncadd.s32 $0xFFFFF000  }
0x56: {  	v1 =	vld [tilespmem:s0+$0x30]  }
0x57: {  	v2 =	vld [tilespmem:s0+$0xFFFFFFD0]  }
0x58: {  	v3 =	vld [tilespmem:s0+$0xFFFFFFE0]  }
0x59: {  	v4 =	vld [tilespmem:s0+$0xFFFFFFF0]  }
0x5a: {  	v5 =	vld [tilespmem:s0+$0x0]  }
0x5b: {  	v6 =	vld [tilespmem:s0+$0x10];
	vm2 =	vlt.u32 v1, $0xC380  }
0x5c: {  	v7 =	vld [tilespmem:s0+$0xFFFFFFC0];
	vm3 =	vlt.u32 v2, $0xC380  }
0x5d: {  	v8 =	vld [tilespmem:s0+$0x20];
	vm4 =	vlt.u32 v3, $0xC380  }
0x5e: {  	s25 =	simm.s32 $0x1A740;
	vm5 =	vlt.u32 v4, $0xC380  }
0x5f: {  	v10 =	vld [tilespmem:s25+$0x30];
	vm6 =	vlt.u32 v5, $0xC380  }
0x60: {  	v9 =	vld [tilespmem:s25+$0xFFFFFFC0];
	vm7 =	vlt.u32 v6, $0xC380  }
0x61: {  	vm1 =	vlt.u32 v7, $0xC380;
	v1 =	vld.idx.msk [tilespmem:v1+s4+$0x0], vm2  }
0x62: {  	vm0 =	vlt.u32 v8, $0xC380;
	v2 =	vld.idx.msk [tilespmem:v2+s4+$0x0], vm3  }
0x63: {  	v11 =	vld.idx.msk [tilespmem:v3+s4+$0x0], vm4  }
0x64: {  	v12 =	vld.idx.msk [tilespmem:v4+s4+$0x0], vm5  }
0x65: {  	v13 =	vld.idx.msk [tilespmem:v5+s4+$0x0], vm6  }
0x66: {  	v14 =	vld.idx.msk [tilespmem:v6+s4+$0x0], vm7  }
0x67: {  	v7 =	vld.idx.msk [tilespmem:v7+s4+$0x0], vm1  }
0x68: {  	v3 =	vld.idx.msk [tilespmem:v8+s4+$0x0], vm0;
	v1 =	vnsel vm2, $0x0, v1  }
0x69: {  	v1 =	vadd.f32 v1, v10;
	v10 =	vld [tilespmem:s25+$0xFFFFFFD0]  }
0x6a: {  	v8 =	vld [tilespmem:s25+$0xFFFFFFE0];
	v4 =	vnsel vm3, $0x0, v2;
	v5 =	vnsel vm4, $0x0, v11  }
0x6b: {  	s12 =	simm.s32 $0x18840;
	s31 =	simm.s32 $0x1A740;
	s0 =	simm.s32 $0x0;
	v6 =	vnsel vm5, $0x0, v12;
	v2 =	vnsel vm6, $0x0, v13;
	v11 =	vld [tilespmem:s25+$0xFFFFFFF0];
	[tilespmem:s25+$0x30] =	vst v1;
	v1 =	vnsel vm7, $0x0, v14  }
.LBB2_10:
0x6c: {  	v12 =	vld [tilespmem:s12+$0x30];
	s0 =	sadd.s32 $0x8, s0;
	v7 =	vnsel vm1, $0x0, v7  }
0x6d: {  	v3 =	vnsel vm0, $0x0, v3;
	v13 =	vld [tilespmem:s12+$0xFFFFFFD0];
	p3 =	slt.u32 s0, $0xF8;
	v7 =	vadd.f32 v7, v9  }
0x6e: {  	v9 =	vld [tilespmem:s12+$0xFFFFFFE0];
	v4 =	vadd.f32 v4, v10  }
0x6f: {  	v10 =	vld [tilespmem:s12+$0xFFFFFFF0];
	[tilespmem:s25+$0xFFFFFFC0] =	vst v7;
	v5 =	vadd.f32 v5, v8  }
0x70: {  	v7 =	vld [tilespmem:s12+$0x0];
	[tilespmem:s25+$0xFFFFFFD0] =	vst v4;
	v4 =	vadd.f32 v6, v11  }
0x71: {  	v6 =	vld [tilespmem:s12+$0x10];
	vm7 =	vlt.u32 v12, $0xC380;
	[tilespmem:s25+$0xFFFFFFE0] =	vst v5  }
0x72: {  	vm6 =	vlt.u32 v13, $0xC380;
	v5 =	vld [tilespmem:s12+$0x20];
	[tilespmem:s25+$0xFFFFFFF0] =	vst v4  }
0x73: {  	v4 =	vld [tilespmem:s12+$0xFFFFFFC0];
	vm5 =	vlt.u32 v9, $0xC380  }
0x74: {  	vm2 =	vlt.u32 v10, $0xC380;
	v8 =	vld [tilespmem:s25+$0x0]  }
0x75: {  	vm3 =	vlt.u32 v7, $0xC380;
	v11 =	vld [tilespmem:s25+$0x10]  }
0x76: {  	vm4 =	vlt.u32 v6, $0xC380;
	v14 =	vld [tilespmem:s25+$0x20]  }
0x77: {  	vm0 =	vlt.u32 v5, $0xC380;
	v12 =	vld.idx.msk [tilespmem:v12+s4+$0x0], vm7  }
0x78: {  	s25 =	sadd.s32 $0x80, s25;
	vm1 =	vlt.u32 v4, $0xC380;
	v13 =	vld.idx.msk [tilespmem:v13+s4+$0x0], vm6  }
0x79: {  	v15 =	vld [tilespmem:s25+$0x30];
	v2 =	vadd.f32 v2, v8  }
0x7a: {  	v8 =	vld.idx.msk [tilespmem:v9+s4+$0x0], vm5;
	v1 =	vadd.f32 v1, v11  }
0x7b: {  	v11 =	vld.idx.msk [tilespmem:v10+s4+$0x0], vm2;
	[tilespmem:s31+$0x0] =	vst v2;
	v2 =	vadd.f32 v3, v14  }
0x7c: {  	v14 =	vld.idx.msk [tilespmem:v7+s4+$0x0], vm3;
	[tilespmem:s31+$0x10] =	vst v1  }
0x7d: {  	v3 =	vnsel vm7, $0x0, v12;
	v1 =	vld.idx.msk [tilespmem:v6+s4+$0x0], vm4;
	[tilespmem:s31+$0x20] =	vst v2;
	s31 =	smov.u32 s25  }
0x7e: {  	v7 =	vld.idx.msk [tilespmem:v4+s4+$0x0], vm1;
	v4 =	vnsel vm6, $0x0, v13;
	v2 =	vadd.f32 v3, v15  }
.Ltmp3:
0x7f: {  	v3 =	vld.idx.msk [tilespmem:v5+s4+$0x0], vm0;
	(pc) =	sbr.rel @p3 .LBB2_10-.Ltmp3, $4  }
0x80: {  	v5 =	vnsel vm5, $0x0, v8;
	v9 =	vld [tilespmem:s25+$0xFFFFFFC0];
	[tilespmem:s25+$0x30] =	vst v2  }
0x81: {  	v6 =	vnsel vm2, $0x0, v11;
	v10 =	vld [tilespmem:s25+$0xFFFFFFD0]  }
0x82: {  	v2 =	vnsel vm3, $0x0, v14;
	v8 =	vld [tilespmem:s25+$0xFFFFFFE0]  }
0x83: {  	s12 =	sadd.s32 $0x100, s12;
	v1 =	vnsel vm4, $0x0, v1;
	v11 =	vld [tilespmem:s25+$0xFFFFFFF0]  }
0x84: {  	v7 =	vnsel vm1, $0x0, v7;
	v12 =	vld [tilespmem:s25+$0x0]  }
0x85: {  	v61 =	vld [tilespmem:s25+$0x10];
	v7 =	vadd.f32 v7, v9  }
0x86: {  	v62 =	vld [tilespmem:s25+$0x20];
	v4 =	vadd.f32 v4, v10  }
0x87: {  	[tilespmem:s25+$0xFFFFFFC0] =	vst v7;
	v5 =	vadd.f32 v5, v8  }
0x88: {  	[tilespmem:s25+$0xFFFFFFD0] =	vst v4;
	v63 =	vadd.f32 v6, v11  }
0x89: {  	[tilespmem:s25+$0xFFFFFFE0] =	vst v5;
	v2 =	vadd.f32 v2, v12  }
0x8a: {  	v3 =	vnsel vm0, $0x0, v3;
	v1 =	vadd.f32 v1, v61;
	[tilespmem:s25+$0xFFFFFFF0] =	vst v63  }
0x8b: {  	[tilespmem:s31+$0x0] =	vst v2;
	v2 =	vadd.f32 v3, v62  }
0x8c: {  	s26 =	sadd.s32 $0x4000, s28;
	[tilespmem:s31+$0x10] =	vst v1  }
0x8d: {  	s0 =	simm.s32 $0x400;
	s13 =	simm.s32 $0x18700;
	s12 =	sadd.s32 $0x0, s26;
	[tilespmem:s31+$0x20] =	vst v2  }
.LBB2_12:
0x8e: {  	[tilespmem:s13], [sflag:$0x3] =	stream.linear.gather [spmem:s12], $0x80, $0x38;
	[tilespmem:$0x1FF00] =	vst v63  }
0x8f: {  	s12 =	smov.u32 s0;
	p3 =	sne.s32 s0, $0x7C00  }
.Ltmp4:
0x90: {  	s0 =	sadd.s32 $0x400, s0;
	(pc) =	sbr.rel @p3 .LBB2_12-.Ltmp4, $3  }
0x91: {  	_ =	sdelay $0x1  }
0x92: {  	s13 =	sshra.s32 s12, $0x2  }
0x93: {  	s12 =	sadd.s32 s13, s26;
	s13 =	sadd.s32 $0x18700, s13  }
0x94: {  	[tilespmem:s13], [sflag:$0x3] =	stream.linear.gather [spmem:s12], $0x80, $0x38;
	[tilespmem:$0x1FF00] =	vst v63  }
0x95: {  	_ =	swait.ge [sflag:s20], $0x1000  }
0x96: {  	[sflag:s20] =	ssyncset.done $0x0  }
0x97: {  	s0 =	simm.s32 $0x187F0;
	[sflag:s20] =	ssyncadd.s32 $0xFFFFF000  }
0x98: {  	v1 =	vld [tilespmem:s0+$0x0]  }
0x99: {  	v2 =	vld [tilespmem:s0+$0xFFFFFFA0]  }
0x9a: {  	v3 =	vld [tilespmem:s0+$0xFFFFFFB0]  }
0x9b: {  	v4 =	vld [tilespmem:s0+$0xFFFFFFC0]  }
0x9c: {  	v5 =	vld [tilespmem:s0+$0xFFFFFFD0]  }
0x9d: {  	v6 =	vld [tilespmem:s0+$0xFFFFFFE0];
	vm2 =	vlt.u32 v1, $0xC380  }
0x9e: {  	v7 =	vld [tilespmem:s0+$0xFFFFFF90];
	vm3 =	vlt.u32 v2, $0xC380  }
0x9f: {  	v8 =	vld [tilespmem:s0+$0xFFFFFFF0];
	vm4 =	vlt.u32 v3, $0xC380  }
0xa0: {  	s25 =	simm.s32 $0x1B770;
	vm5 =	vlt.u32 v4, $0xC380  }
0xa1: {  	v10 =	vld [tilespmem:s25+$0x0];
	vm6 =	vlt.u32 v5, $0xC380  }
0xa2: {  	v9 =	vld [tilespmem:s25+$0xFFFFFF90];
	vm7 =	vlt.u32 v6, $0xC380  }
0xa3: {  	vm1 =	vlt.u32 v7, $0xC380;
	v1 =	vld.idx.msk [tilespmem:v1+s4+$0x0], vm2  }
0xa4: {  	vm0 =	vlt.u32 v8, $0xC380;
	v2 =	vld.idx.msk [tilespmem:v2+s4+$0x0], vm3  }
0xa5: {  	v11 =	vld.idx.msk [tilespmem:v3+s4+$0x0], vm4  }
0xa6: {  	v12 =	vld.idx.msk [tilespmem:v4+s4+$0x0], vm5  }
0xa7: {  	v13 =	vld.idx.msk [tilespmem:v5+s4+$0x0], vm6  }
0xa8: {  	v14 =	vld.idx.msk [tilespmem:v6+s4+$0x0], vm7  }
0xa9: {  	v7 =	vld.idx.msk [tilespmem:v7+s4+$0x0], vm1  }
0xaa: {  	v3 =	vld.idx.msk [tilespmem:v8+s4+$0x0], vm0;
	v1 =	vnsel vm2, $0x0, v1  }
0xab: {  	v1 =	vadd.f32 v1, v10;
	v10 =	vld [tilespmem:s25+$0xFFFFFFA0]  }
0xac: {  	v8 =	vld [tilespmem:s25+$0xFFFFFFB0];
	v4 =	vnsel vm3, $0x0, v2;
	v5 =	vnsel vm4, $0x0, v11  }
0xad: {  	s12 =	simm.s32 $0x188F0;
	s31 =	simm.s32 $0x1B770;
	s0 =	simm.s32 $0x0;
	v6 =	vnsel vm5, $0x0, v12;
	v2 =	vnsel vm6, $0x0, v13;
	v11 =	vld [tilespmem:s25+$0xFFFFFFC0];
	[tilespmem:s25+$0x0] =	vst v1;
	v1 =	vnsel vm7, $0x0, v14  }
.LBB2_14:
0xae: {  	v12 =	vld [tilespmem:s12+$0x0];
	s0 =	sadd.s32 $0x8, s0;
	v7 =	vnsel vm1, $0x0, v7  }
0xaf: {  	v3 =	vnsel vm0, $0x0, v3;
	v13 =	vld [tilespmem:s12+$0xFFFFFFA0];
	p3 =	slt.u32 s0, $0xF8;
	v7 =	vadd.f32 v7, v9  }
0xb0: {  	v9 =	vld [tilespmem:s12+$0xFFFFFFB0];
	v4 =	vadd.f32 v4, v10  }
0xb1: {  	v10 =	vld [tilespmem:s12+$0xFFFFFFC0];
	[tilespmem:s25+$0xFFFFFF90] =	vst v7;
	v5 =	vadd.f32 v5, v8  }
0xb2: {  	v7 =	vld [tilespmem:s12+$0xFFFFFFD0];
	[tilespmem:s25+$0xFFFFFFA0] =	vst v4;
	v4 =	vadd.f32 v6, v11  }
0xb3: {  	v6 =	vld [tilespmem:s12+$0xFFFFFFE0];
	vm7 =	vlt.u32 v12, $0xC380;
	[tilespmem:s25+$0xFFFFFFB0] =	vst v5  }
0xb4: {  	vm6 =	vlt.u32 v13, $0xC380;
	v5 =	vld [tilespmem:s12+$0xFFFFFFF0];
	[tilespmem:s25+$0xFFFFFFC0] =	vst v4  }
0xb5: {  	v4 =	vld [tilespmem:s12+$0xFFFFFF90];
	vm5 =	vlt.u32 v9, $0xC380  }
0xb6: {  	vm2 =	vlt.u32 v10, $0xC380;
	v8 =	vld [tilespmem:s25+$0xFFFFFFD0]  }
0xb7: {  	vm3 =	vlt.u32 v7, $0xC380;
	v11 =	vld [tilespmem:s25+$0xFFFFFFE0]  }
0xb8: {  	vm4 =	vlt.u32 v6, $0xC380;
	v14 =	vld [tilespmem:s25+$0xFFFFFFF0]  }
0xb9: {  	vm0 =	vlt.u32 v5, $0xC380;
	v12 =	vld.idx.msk [tilespmem:v12+s4+$0x0], vm7  }
0xba: {  	s25 =	sadd.s32 $0x80, s25;
	vm1 =	vlt.u32 v4, $0xC380;
	v13 =	vld.idx.msk [tilespmem:v13+s4+$0x0], vm6  }
0xbb: {  	v15 =	vld [tilespmem:s25+$0x0];
	v2 =	vadd.f32 v2, v8  }
0xbc: {  	v8 =	vld.idx.msk [tilespmem:v9+s4+$0x0], vm5;
	v1 =	vadd.f32 v1, v11  }
0xbd: {  	v11 =	vld.idx.msk [tilespmem:v10+s4+$0x0], vm2;
	[tilespmem:s31+$0xFFFFFFD0] =	vst v2;
	v2 =	vadd.f32 v3, v14  }
0xbe: {  	v14 =	vld.idx.msk [tilespmem:v7+s4+$0x0], vm3;
	[tilespmem:s31+$0xFFFFFFE0] =	vst v1  }
0xbf: {  	v3 =	vnsel vm7, $0x0, v12;
	v1 =	vld.idx.msk [tilespmem:v6+s4+$0x0], vm4;
	[tilespmem:s31+$0xFFFFFFF0] =	vst v2;
	s31 =	smov.u32 s25  }
0xc0: {  	v7 =	vld.idx.msk [tilespmem:v4+s4+$0x0], vm1;
	v4 =	vnsel vm6, $0x0, v13;
	v2 =	vadd.f32 v3, v15  }
.Ltmp5:
0xc1: {  	v3 =	vld.idx.msk [tilespmem:v5+s4+$0x0], vm0;
	(pc) =	sbr.rel @p3 .LBB2_14-.Ltmp5, $4  }
0xc2: {  	v5 =	vnsel vm5, $0x0, v8;
	v9 =	vld [tilespmem:s25+$0xFFFFFF90];
	[tilespmem:s25+$0x0] =	vst v2  }
0xc3: {  	v6 =	vnsel vm2, $0x0, v11;
	v10 =	vld [tilespmem:s25+$0xFFFFFFA0]  }
0xc4: {  	v2 =	vnsel vm3, $0x0, v14;
	v8 =	vld [tilespmem:s25+$0xFFFFFFB0]  }
0xc5: {  	s12 =	sadd.s32 $0x100, s12;
	v1 =	vnsel vm4, $0x0, v1;
	v11 =	vld [tilespmem:s25+$0xFFFFFFC0]  }
0xc6: {  	v7 =	vnsel vm1, $0x0, v7;
	v12 =	vld [tilespmem:s25+$0xFFFFFFD0]  }
0xc7: {  	v61 =	vld [tilespmem:s25+$0xFFFFFFE0];
	v7 =	vadd.f32 v7, v9  }
0xc8: {  	v62 =	vld [tilespmem:s25+$0xFFFFFFF0];
	v4 =	vadd.f32 v4, v10  }
0xc9: {  	[tilespmem:s25+$0xFFFFFF90] =	vst v7;
	v5 =	vadd.f32 v5, v8  }
0xca: {  	[tilespmem:s25+$0xFFFFFFA0] =	vst v4;
	v63 =	vadd.f32 v6, v11  }
0xcb: {  	[tilespmem:s25+$0xFFFFFFB0] =	vst v5;
	v2 =	vadd.f32 v2, v12  }
0xcc: {  	v3 =	vnsel vm0, $0x0, v3;
	v1 =	vadd.f32 v1, v61;
	[tilespmem:s25+$0xFFFFFFC0] =	vst v63  }
0xcd: {  	[tilespmem:s31+$0xFFFFFFD0] =	vst v2;
	v2 =	vadd.f32 v3, v62  }
0xce: {  	s25 =	sadd.s32 $0x6000, s28;
	[tilespmem:s31+$0xFFFFFFE0] =	vst v1  }
0xcf: {  	s0 =	simm.s32 $0x400;
	s13 =	simm.s32 $0x18780;
	s12 =	sadd.s32 $0x0, s25;
	[tilespmem:s31+$0xFFFFFFF0] =	vst v2  }
.LBB2_16:
0xd0: {  	[tilespmem:s13], [sflag:$0x3] =	stream.linear.gather [spmem:s12], $0x80, $0x38;
	[tilespmem:$0x1FF00] =	vst v63  }
0xd1: {  	s12 =	smov.u32 s0;
	p3 =	sne.s32 s0, $0x7C00  }
.Ltmp6:
0xd2: {  	s0 =	sadd.s32 $0x400, s0;
	(pc) =	sbr.rel @p3 .LBB2_16-.Ltmp6, $3  }
0xd3: {  	_ =	sdelay $0x1  }
0xd4: {  	s13 =	sshra.s32 s12, $0x2  }
0xd5: {  	s12 =	sadd.s32 s13, s25;
	s13 =	sadd.s32 $0x18780, s13  }
0xd6: {  	[tilespmem:s13], [sflag:$0x3] =	stream.linear.gather [spmem:s12], $0x80, $0x38;
	[tilespmem:$0x1FF00] =	vst v63  }
0xd7: {  	_ =	swait.ge [sflag:s20], $0x1000  }
0xd8: {  	[sflag:s20] =	ssyncset.done $0x0  }
0xd9: {  	s0 =	simm.s32 $0x18740;
	[sflag:s20] =	ssyncadd.s32 $0xFFFFF000  }
0xda: {  	v1 =	vld [tilespmem:s0+$0x30]  }
0xdb: {  	v2 =	vld [tilespmem:s0+$0xFFFFFFD0]  }
0xdc: {  	v3 =	vld [tilespmem:s0+$0xFFFFFFE0]  }
0xdd: {  	v4 =	vld [tilespmem:s0+$0xFFFFFFF0]  }
0xde: {  	v5 =	vld [tilespmem:s0+$0x0]  }
0xdf: {  	v6 =	vld [tilespmem:s0+$0x10];
	vm2 =	vlt.u32 v1, $0xC380  }
0xe0: {  	v7 =	vld [tilespmem:s0+$0xFFFFFFC0];
	vm3 =	vlt.u32 v2, $0xC380  }
0xe1: {  	v8 =	vld [tilespmem:s0+$0x20];
	vm4 =	vlt.u32 v3, $0xC380  }
0xe2: {  	s31 =	simm.s32 $0x1C770;
	vm5 =	vlt.u32 v4, $0xC380  }
0xe3: {  	v10 =	vld [tilespmem:s31+$0x0];
	vm6 =	vlt.u32 v5, $0xC380  }
0xe4: {  	v9 =	vld [tilespmem:s31+$0xFFFFFF90];
	vm7 =	vlt.u32 v6, $0xC380  }
0xe5: {  	vm1 =	vlt.u32 v7, $0xC380;
	v1 =	vld.idx.msk [tilespmem:v1+s4+$0x0], vm2  }
0xe6: {  	vm0 =	vlt.u32 v8, $0xC380;
	v2 =	vld.idx.msk [tilespmem:v2+s4+$0x0], vm3  }
0xe7: {  	v11 =	vld.idx.msk [tilespmem:v3+s4+$0x0], vm4  }
0xe8: {  	v12 =	vld.idx.msk [tilespmem:v4+s4+$0x0], vm5  }
0xe9: {  	v13 =	vld.idx.msk [tilespmem:v5+s4+$0x0], vm6  }
0xea: {  	v14 =	vld.idx.msk [tilespmem:v6+s4+$0x0], vm7  }
0xeb: {  	v7 =	vld.idx.msk [tilespmem:v7+s4+$0x0], vm1  }
0xec: {  	v3 =	vld.idx.msk [tilespmem:v8+s4+$0x0], vm0;
	v1 =	vnsel vm2, $0x0, v1  }
0xed: {  	v1 =	vadd.f32 v1, v10;
	v10 =	vld [tilespmem:s31+$0xFFFFFFA0]  }
0xee: {  	v8 =	vld [tilespmem:s31+$0xFFFFFFB0];
	v4 =	vnsel vm3, $0x0, v2;
	v5 =	vnsel vm4, $0x0, v11  }
0xef: {  	s12 =	simm.s32 $0x0;
	s13 =	simm.s32 $0x18840;
	s0 =	simm.s32 $0x1C770;
	v6 =	vnsel vm5, $0x0, v12;
	v2 =	vnsel vm6, $0x0, v13;
	v11 =	vld [tilespmem:s31+$0xFFFFFFC0];
	[tilespmem:s31+$0x0] =	vst v1;
	v1 =	vnsel vm7, $0x0, v14  }
.LBB2_18:
0xf0: {  	v12 =	vld [tilespmem:s13+$0x30];
	s12 =	sadd.s32 $0x8, s12;
	v7 =	vnsel vm1, $0x0, v7  }
0xf1: {  	v3 =	vnsel vm0, $0x0, v3;
	v13 =	vld [tilespmem:s13+$0xFFFFFFD0];
	p3 =	slt.u32 s12, $0xF8;
	v7 =	vadd.f32 v7, v9  }
0xf2: {  	v9 =	vld [tilespmem:s13+$0xFFFFFFE0];
	v4 =	vadd.f32 v4, v10  }
0xf3: {  	v10 =	vld [tilespmem:s13+$0xFFFFFFF0];
	[tilespmem:s31+$0xFFFFFF90] =	vst v7;
	v5 =	vadd.f32 v5, v8  }
0xf4: {  	v7 =	vld [tilespmem:s13+$0x0];
	[tilespmem:s31+$0xFFFFFFA0] =	vst v4;
	v4 =	vadd.f32 v6, v11  }
0xf5: {  	v6 =	vld [tilespmem:s13+$0x10];
	vm7 =	vlt.u32 v12, $0xC380;
	[tilespmem:s31+$0xFFFFFFB0] =	vst v5  }
0xf6: {  	vm6 =	vlt.u32 v13, $0xC380;
	v5 =	vld [tilespmem:s13+$0x20];
	[tilespmem:s31+$0xFFFFFFC0] =	vst v4  }
0xf7: {  	v4 =	vld [tilespmem:s13+$0xFFFFFFC0];
	vm5 =	vlt.u32 v9, $0xC380  }
0xf8: {  	vm2 =	vlt.u32 v10, $0xC380;
	v8 =	vld [tilespmem:s31+$0xFFFFFFD0]  }
0xf9: {  	vm3 =	vlt.u32 v7, $0xC380;
	v11 =	vld [tilespmem:s31+$0xFFFFFFE0]  }
0xfa: {  	vm4 =	vlt.u32 v6, $0xC380;
	v14 =	vld [tilespmem:s31+$0xFFFFFFF0]  }
0xfb: {  	vm0 =	vlt.u32 v5, $0xC380;
	v12 =	vld.idx.msk [tilespmem:v12+s4+$0x0], vm7  }
0xfc: {  	s31 =	sadd.s32 $0x80, s31;
	vm1 =	vlt.u32 v4, $0xC380;
	v13 =	vld.idx.msk [tilespmem:v13+s4+$0x0], vm6  }
0xfd: {  	v15 =	vld [tilespmem:s31+$0x0];
	v2 =	vadd.f32 v2, v8  }
0xfe: {  	v8 =	vld.idx.msk [tilespmem:v9+s4+$0x0], vm5;
	v1 =	vadd.f32 v1, v11  }
0xff: {  	v11 =	vld.idx.msk [tilespmem:v10+s4+$0x0], vm2;
	[tilespmem:s0+$0xFFFFFFD0] =	vst v2;
	v2 =	vadd.f32 v3, v14  }
0x100: {  	v14 =	vld.idx.msk [tilespmem:v7+s4+$0x0], vm3;
	[tilespmem:s0+$0xFFFFFFE0] =	vst v1  }
0x101: {  	v3 =	vnsel vm7, $0x0, v12;
	v1 =	vld.idx.msk [tilespmem:v6+s4+$0x0], vm4;
	[tilespmem:s0+$0xFFFFFFF0] =	vst v2;
	s0 =	smov.u32 s31  }
0x102: {  	v7 =	vld.idx.msk [tilespmem:v4+s4+$0x0], vm1;
	v4 =	vnsel vm6, $0x0, v13;
	v2 =	vadd.f32 v3, v15  }
.Ltmp7:
0x103: {  	v3 =	vld.idx.msk [tilespmem:v5+s4+$0x0], vm0;
	(pc) =	sbr.rel @p3 .LBB2_18-.Ltmp7, $4  }
0x104: {  	v5 =	vnsel vm5, $0x0, v8;
	v9 =	vld [tilespmem:s31+$0xFFFFFF90];
	[tilespmem:s31+$0x0] =	vst v2  }
0x105: {  	v6 =	vnsel vm2, $0x0, v11;
	v10 =	vld [tilespmem:s31+$0xFFFFFFA0]  }
0x106: {  	v2 =	vnsel vm3, $0x0, v14;
	v8 =	vld [tilespmem:s31+$0xFFFFFFB0]  }
0x107: {  	s13 =	sadd.s32 $0x100, s13;
	v1 =	vnsel vm4, $0x0, v1;
	v11 =	vld [tilespmem:s31+$0xFFFFFFC0]  }
0x108: {  	v7 =	vnsel vm1, $0x0, v7;
	v12 =	vld [tilespmem:s31+$0xFFFFFFD0]  }
0x109: {  	v7 =	vadd.f32 v7, v9;
	v9 =	vld [tilespmem:s31+$0xFFFFFFE0]  }
0x10a: {  	v4 =	vadd.f32 v4, v10;
	v10 =	vld [tilespmem:s31+$0xFFFFFFF0]  }
0x10b: {  	[tilespmem:s31+$0xFFFFFF90] =	vst v7;
	v5 =	vadd.f32 v5, v8  }
0x10c: {  	[tilespmem:s31+$0xFFFFFFA0] =	vst v4;
	v4 =	vadd.f32 v6, v11  }
0x10d: {  	[tilespmem:s31+$0xFFFFFFB0] =	vst v5;
	v2 =	vadd.f32 v2, v12  }
0x10e: {  	v3 =	vnsel vm0, $0x0, v3;
	[tilespmem:s31+$0xFFFFFFC0] =	vst v4;
	v1 =	vadd.f32 v1, v9  }
0x10f: {  	[tilespmem:s0+$0xFFFFFFD0] =	vst v2;
	v2 =	vadd.f32 v3, v10  }
0x110: {  	[tilespmem:s0+$0xFFFFFFE0] =	vst v1  }
0x111: {  	[tilespmem:s0+$0xFFFFFFF0] =	vst v2  }
0x112: {  	_ =	swait.ge [sflag:s20], $0x1000  }
0x113: {  	[sflag:s20] =	ssyncset.done $0x0  }
0x114: {  	s13 =	simm.s32 $0x187F0;
	[sflag:s20] =	ssyncadd.s32 $0xFFFFF000  }
0x115: {  	v1 =	vld [tilespmem:s13+$0x0]  }
0x116: {  	v2 =	vld [tilespmem:s13+$0xFFFFFFA0]  }
0x117: {  	v3 =	vld [tilespmem:s13+$0xFFFFFFB0]  }
0x118: {  	v4 =	vld [tilespmem:s13+$0xFFFFFFC0]  }
0x119: {  	v5 =	vld [tilespmem:s13+$0xFFFFFFD0]  }
0x11a: {  	v6 =	vld [tilespmem:s13+$0xFFFFFFE0];
	vm2 =	vlt.u32 v1, $0xC380  }
0x11b: {  	v7 =	vld [tilespmem:s13+$0xFFFFFF90];
	vm3 =	vlt.u32 v2, $0xC380  }
0x11c: {  	v8 =	vld [tilespmem:s13+$0xFFFFFFF0];
	vm4 =	vlt.u32 v3, $0xC380  }
0x11d: {  	s31 =	simm.s32 $0x1D770;
	vm5 =	vlt.u32 v4, $0xC380  }
0x11e: {  	v10 =	vld [tilespmem:s31+$0x0];
	vm6 =	vlt.u32 v5, $0xC380  }
0x11f: {  	v9 =	vld [tilespmem:s31+$0xFFFFFF90];
	vm7 =	vlt.u32 v6, $0xC380  }
0x120: {  	vm1 =	vlt.u32 v7, $0xC380;
	v1 =	vld.idx.msk [tilespmem:v1+s4+$0x0], vm2  }
0x121: {  	vm0 =	vlt.u32 v8, $0xC380;
	v2 =	vld.idx.msk [tilespmem:v2+s4+$0x0], vm3  }
0x122: {  	v11 =	vld.idx.msk [tilespmem:v3+s4+$0x0], vm4  }
0x123: {  	v63 =	vld.idx.msk [tilespmem:v4+s4+$0x0], vm5  }
0x124: {  	v13 =	vld.idx.msk [tilespmem:v5+s4+$0x0], vm6  }
0x125: {  	v14 =	vld.idx.msk [tilespmem:v6+s4+$0x0], vm7  }
0x126: {  	v7 =	vld.idx.msk [tilespmem:v7+s4+$0x0], vm1  }
0x127: {  	v3 =	vld.idx.msk [tilespmem:v8+s4+$0x0], vm0;
	v1 =	vnsel vm2, $0x0, v1  }
0x128: {  	v1 =	vadd.f32 v1, v10;
	v10 =	vld [tilespmem:s31+$0xFFFFFFA0]  }
0x129: {  	v8 =	vld [tilespmem:s31+$0xFFFFFFB0];
	v4 =	vnsel vm3, $0x0, v2;
	v5 =	vnsel vm4, $0x0, v11  }
0x12a: {  	s12 =	simm.s32 $0x0;
	s0 =	simm.s32 $0x1D770;
	s13 =	simm.s32 $0x188F0;
	v6 =	vnsel vm5, $0x0, v63;
	v2 =	vnsel vm6, $0x0, v13;
	v11 =	vld [tilespmem:s31+$0xFFFFFFC0];
	[tilespmem:s31+$0x0] =	vst v1;
	v1 =	vnsel vm7, $0x0, v14  }
.LBB2_20:
0x12b: {  	v12 =	vld [tilespmem:s13+$0x0];
	s12 =	sadd.s32 $0x8, s12;
	v7 =	vnsel vm1, $0x0, v7  }
0x12c: {  	v3 =	vnsel vm0, $0x0, v3;
	v13 =	vld [tilespmem:s13+$0xFFFFFFA0];
	p3 =	slt.u32 s12, $0xF8;
	v7 =	vadd.f32 v7, v9  }
0x12d: {  	v9 =	vld [tilespmem:s13+$0xFFFFFFB0];
	v4 =	vadd.f32 v4, v10  }
0x12e: {  	v10 =	vld [tilespmem:s13+$0xFFFFFFC0];
	[tilespmem:s31+$0xFFFFFF90] =	vst v7;
	v5 =	vadd.f32 v5, v8  }
0x12f: {  	v7 =	vld [tilespmem:s13+$0xFFFFFFD0];
	[tilespmem:s31+$0xFFFFFFA0] =	vst v4;
	v4 =	vadd.f32 v6, v11  }
0x130: {  	v6 =	vld [tilespmem:s13+$0xFFFFFFE0];
	vm7 =	vlt.u32 v12, $0xC380;
	[tilespmem:s31+$0xFFFFFFB0] =	vst v5  }
0x131: {  	vm6 =	vlt.u32 v13, $0xC380;
	v5 =	vld [tilespmem:s13+$0xFFFFFFF0];
	[tilespmem:s31+$0xFFFFFFC0] =	vst v4  }
0x132: {  	v4 =	vld [tilespmem:s13+$0xFFFFFF90];
	vm5 =	vlt.u32 v9, $0xC380  }
0x133: {  	vm2 =	vlt.u32 v10, $0xC380;
	v8 =	vld [tilespmem:s31+$0xFFFFFFD0]  }
0x134: {  	vm3 =	vlt.u32 v7, $0xC380;
	v11 =	vld [tilespmem:s31+$0xFFFFFFE0]  }
0x135: {  	vm4 =	vlt.u32 v6, $0xC380;
	v14 =	vld [tilespmem:s31+$0xFFFFFFF0]  }
0x136: {  	vm0 =	vlt.u32 v5, $0xC380;
	v12 =	vld.idx.msk [tilespmem:v12+s4+$0x0], vm7  }
0x137: {  	s31 =	sadd.s32 $0x80, s31;
	vm1 =	vlt.u32 v4, $0xC380;
	v13 =	vld.idx.msk [tilespmem:v13+s4+$0x0], vm6  }
0x138: {  	v15 =	vld [tilespmem:s31+$0x0];
	v2 =	vadd.f32 v2, v8  }
0x139: {  	v8 =	vld.idx.msk [tilespmem:v9+s4+$0x0], vm5;
	v1 =	vadd.f32 v1, v11  }
0x13a: {  	v11 =	vld.idx.msk [tilespmem:v10+s4+$0x0], vm2;
	[tilespmem:s0+$0xFFFFFFD0] =	vst v2;
	v2 =	vadd.f32 v3, v14  }
0x13b: {  	v14 =	vld.idx.msk [tilespmem:v7+s4+$0x0], vm3;
	[tilespmem:s0+$0xFFFFFFE0] =	vst v1  }
0x13c: {  	v3 =	vnsel vm7, $0x0, v12;
	v1 =	vld.idx.msk [tilespmem:v6+s4+$0x0], vm4;
	[tilespmem:s0+$0xFFFFFFF0] =	vst v2;
	s0 =	smov.u32 s31  }
0x13d: {  	v7 =	vld.idx.msk [tilespmem:v4+s4+$0x0], vm1;
	v4 =	vnsel vm6, $0x0, v13;
	v2 =	vadd.f32 v3, v15  }
.Ltmp8:
0x13e: {  	v3 =	vld.idx.msk [tilespmem:v5+s4+$0x0], vm0;
	(pc) =	sbr.rel @p3 .LBB2_20-.Ltmp8, $4  }
0x13f: {  	v5 =	vnsel vm5, $0x0, v8;
	v9 =	vld [tilespmem:s31+$0xFFFFFF90];
	[tilespmem:s31+$0x0] =	vst v2  }
0x140: {  	v6 =	vnsel vm2, $0x0, v11;
	v10 =	vld [tilespmem:s31+$0xFFFFFFA0]  }
0x141: {  	v2 =	vnsel vm3, $0x0, v14;
	v8 =	vld [tilespmem:s31+$0xFFFFFFB0]  }
0x142: {  	s13 =	sadd.s32 $0x100, s13;
	v1 =	vnsel vm4, $0x0, v1;
	v11 =	vld [tilespmem:s31+$0xFFFFFFC0]  }
0x143: {  	v7 =	vnsel vm1, $0x0, v7;
	v12 =	vld [tilespmem:s31+$0xFFFFFFD0]  }
0x144: {  	v61 =	vld [tilespmem:s31+$0xFFFFFFE0];
	v7 =	vadd.f32 v7, v9  }
0x145: {  	v62 =	vld [tilespmem:s31+$0xFFFFFFF0];
	v4 =	vadd.f32 v4, v10  }
0x146: {  	[tilespmem:s31+$0xFFFFFF90] =	vst v7;
	v5 =	vadd.f32 v5, v8  }
0x147: {  	[tilespmem:s31+$0xFFFFFFA0] =	vst v4;
	v63 =	vadd.f32 v6, v11  }
0x148: {  	[tilespmem:s31+$0xFFFFFFB0] =	vst v5;
	v2 =	vadd.f32 v2, v12  }
0x149: {  	v3 =	vnsel vm0, $0x0, v3;
	v1 =	vadd.f32 v1, v61;
	[tilespmem:s31+$0xFFFFFFC0] =	vst v63  }
0x14a: {  	[tilespmem:s0+$0xFFFFFFD0] =	vst v2;
	v2 =	vadd.f32 v3, v62  }
0x14b: {  	[tilespmem:s0+$0xFFFFFFE0] =	vst v1  }
0x14c: {  	[tilespmem:s0+$0xFFFFFFF0] =	vst v2;
	s0 =	smul.u32 @p2 $0x61C00, s24  }
0x14d: {  	s12 =	simm.s32 @p2 $0x80;
	_ =	swait.ge [sflag:s21], $0xC300  }
0x14e: {  	s13 =	simm.s32 @p2 $0x400;
	[sflag:s21] =	ssyncset.done $0x0;
	s0 =	sadd.s32 @p2 s1, s0  }
0x14f: {  	s31 =	simm.s32 @p2 $0x0;
	[sflag:s21] =	ssyncadd.s32 $0xFFFF3D00;
	s0 =	sadd.s32 @p2 s5, s0  }
0x150: {  	[tilespmem:s31], [sflag:$0x1] =	stream.strided.gather @p2 [hbm4b:s0+s12], $0xC380, s13, s12, $0x38;
	[tilespmem:$0x1FF00] =	vst v63  }
0x151: {  	v1 =	vld [tilespmem:s30+$0x1E700];
	_ =	sdelay $0x4  }
0x152: {  	[tilespmem:$0x18620] =	vst v1  }
0x153: {  	v1 =	vld [tilespmem:s30+$0x1E710];
	_ =	sdelay $0x4  }
0x154: {  	[tilespmem:$0x18630] =	vst v1  }
0x155: {  	v1 =	vld [tilespmem:s30+$0x1E720];
	_ =	sdelay $0x4  }
0x156: {  	[tilespmem:$0x18640] =	vst v1  }
0x157: {  	v1 =	vld [tilespmem:s30+$0x1E730];
	_ =	sdelay $0x4  }
0x158: {  	[tilespmem:$0x18650] =	vst v1  }
0x159: {  	v1 =	vld [tilespmem:s30+$0x1E740];
	_ =	sdelay $0x4  }
0x15a: {  	[tilespmem:$0x18660] =	vst v1  }
0x15b: {  	v1 =	vld [tilespmem:s30+$0x1E750];
	_ =	sdelay $0x4  }
0x15c: {  	[tilespmem:$0x18670] =	vst v1  }
0x15d: {  	v1 =	vld [tilespmem:s30+$0x1E760];
	_ =	sdelay $0x4  }
0x15e: {  	[tilespmem:$0x18680] =	vst v1  }
0x15f: {  	v1 =	vld [tilespmem:s30+$0x1E770];
	_ =	sdelay $0x4  }
0x160: {  	s0 =	simm.s32 $0x400;
	s12 =	sadd.s32 $0x0, s28;
	s13 =	simm.s32 $0x18700;
	[tilespmem:$0x18690] =	vst v1  }
.LBB2_22:
0x161: {  	[tilespmem:s13], [sflag:$0x3] =	stream.linear.gather [spmem:s12], $0x80, $0x38;
	[tilespmem:$0x1FF00] =	vst v63  }
0x162: {  	s12 =	smov.u32 s0;
	p2 =	sne.s32 s0, $0x7C00  }
.Ltmp9:
0x163: {  	s0 =	sadd.s32 $0x400, s0;
	(pc) =	sbr.rel @p2 .LBB2_22-.Ltmp9, $3  }
0x164: {  	_ =	sdelay $0x1  }
0x165: {  	s13 =	sshra.s32 s12, $0x2  }
0x166: {  	s12 =	sadd.s32 s13, s28;
	s13 =	sadd.s32 $0x18700, s13  }
0x167: {  	[tilespmem:s13], [sflag:$0x3] =	stream.linear.gather [spmem:s12], $0x80, $0x38;
	[tilespmem:$0x1FF00] =	vst v63  }
0x168: {  	s0 =	simm.s32 $0x400;
	s12 =	sadd.s32 $0x0, s29;
	s13 =	simm.s32 $0x18780  }
.LBB2_24:
0x169: {  	[tilespmem:s13], [sflag:$0x3] =	stream.linear.gather [spmem:s12], $0x80, $0x38;
	[tilespmem:$0x1FF00] =	vst v63  }
0x16a: {  	s12 =	smov.u32 s0;
	p2 =	sne.s32 s0, $0x7C00  }
.Ltmp10:
0x16b: {  	s0 =	sadd.s32 $0x400, s0;
	(pc) =	sbr.rel @p2 .LBB2_24-.Ltmp10, $3  }
0x16c: {  	_ =	sdelay $0x1  }
0x16d: {  	s13 =	sshra.s32 s12, $0x2  }
0x16e: {  	s12 =	sadd.s32 s13, s29;
	s13 =	sadd.s32 $0x18780, s13  }
0x16f: {  	[tilespmem:s13], [sflag:$0x3] =	stream.linear.gather [spmem:s12], $0x80, $0x38;
	[tilespmem:$0x1FF00] =	vst v63  }
0x170: {  	_ =	swait.ge [sflag:s20], $0x1000  }
0x171: {  	[sflag:s20] =	ssyncset.done $0x0  }
0x172: {  	s0 =	simm.s32 $0x18740;
	[sflag:s20] =	ssyncadd.s32 $0xFFFFF000  }
0x173: {  	v1 =	vld [tilespmem:s0+$0x30]  }
0x174: {  	v2 =	vld [tilespmem:s0+$0xFFFFFFD0]  }
0x175: {  	v3 =	vld [tilespmem:s0+$0xFFFFFFE0]  }
0x176: {  	v4 =	vld [tilespmem:s0+$0xFFFFFFF0]  }
0x177: {  	v5 =	vld [tilespmem:s0+$0x0]  }
0x178: {  	v6 =	vld [tilespmem:s0+$0x10];
	v1 =	vadd.s32 $0xFFFF3C80, v1  }
0x179: {  	v7 =	vld [tilespmem:s0+$0xFFFFFFC0];
	v2 =	vadd.s32 $0xFFFF3C80, v2;
	vm3 =	vlt.u32 v1, $0xC320  }
0x17a: {  	v8 =	vld [tilespmem:s0+$0x20];
	v3 =	vadd.s32 $0xFFFF3C80, v3;
	vm4 =	vlt.u32 v2, $0xC320  }
0x17b: {  	v4 =	vadd.s32 $0xFFFF3C80, v4;
	vm5 =	vlt.u32 v3, $0xC320  }
0x17c: {  	v5 =	vadd.s32 $0xFFFF3C80, v5;
	vm6 =	vlt.u32 v4, $0xC320  }
0x17d: {  	s28 =	simm.s32 $0x1A740;
	v6 =	vadd.s32 $0xFFFF3C80, v6;
	vm7 =	vlt.u32 v5, $0xC320  }
0x17e: {  	v9 =	vld [tilespmem:s28+$0x30];
	v7 =	vadd.s32 $0xFFFF3C80, v7;
	vm0 =	vlt.u32 v6, $0xC320  }
0x17f: {  	v8 =	vadd.s32 $0xFFFF3C80, v8;
	vm2 =	vlt.u32 v7, $0xC320;
	v1 =	vld.idx.msk [tilespmem:v1+s18+$0x0], vm3  }
0x180: {  	vm1 =	vlt.u32 v8, $0xC320;
	v2 =	vld.idx.msk [tilespmem:v2+s18+$0x0], vm4  }
0x181: {  	v10 =	vld.idx.msk [tilespmem:v3+s18+$0x0], vm5  }
0x182: {  	v11 =	vld.idx.msk [tilespmem:v4+s18+$0x0], vm6  }
0x183: {  	v12 =	vld.idx.msk [tilespmem:v5+s18+$0x0], vm7  }
0x184: {  	v3 =	vld.idx.msk [tilespmem:v6+s18+$0x0], vm0  }
0x185: {  	v7 =	vld.idx.msk [tilespmem:v7+s18+$0x0], vm2  }
0x186: {  	v4 =	vld.idx.msk [tilespmem:v8+s18+$0x0], vm1;
	v1 =	vnsel vm3, $0x0, v1  }
0x187: {  	v8 =	vld [tilespmem:s28+$0xFFFFFFC0];
	v1 =	vadd.f32 v1, v9  }
0x188: {  	v5 =	vnsel vm4, $0x0, v2;
	v9 =	vld [tilespmem:s28+$0xFFFFFFD0]  }
0x189: {  	s30 =	simm.s32 $0x18840;
	s29 =	simm.s32 $0x1A740;
	s0 =	simm.s32 $0x0;
	v6 =	vnsel vm5, $0x0, v10;
	v2 =	vnsel vm6, $0x0, v11;
	v10 =	vld [tilespmem:s28+$0xFFFFFFE0];
	[tilespmem:s28+$0x30] =	vst v1;
	v1 =	vnsel vm7, $0x0, v12  }
.LBB2_26:
0x18a: {  	v11 =	vld [tilespmem:s30+$0x30];
	s0 =	sadd.s32 $0x8, s0;
	v3 =	vnsel vm0, $0x0, v3  }
0x18b: {  	v7 =	vnsel vm2, $0x0, v7;
	v12 =	vld [tilespmem:s30+$0xFFFFFFD0];
	p2 =	slt.u32 s0, $0xF8  }
0x18c: {  	v4 =	vnsel vm1, $0x0, v4;
	v13 =	vld [tilespmem:s30+$0xFFFFFFE0];
	v7 =	vadd.f32 v7, v8  }
0x18d: {  	v8 =	vld [tilespmem:s30+$0xFFFFFFF0];
	v5 =	vadd.f32 v5, v9  }
0x18e: {  	v9 =	vld [tilespmem:s30+$0x0];
	[tilespmem:s28+$0xFFFFFFC0] =	vst v7;
	v6 =	vadd.f32 v6, v10  }
0x18f: {  	v7 =	vld [tilespmem:s30+$0x10];
	v10 =	vadd.s32 $0xFFFF3C80, v11;
	[tilespmem:s28+$0xFFFFFFD0] =	vst v5  }
0x190: {  	v5 =	vadd.s32 $0xFFFF3C80, v12;
	v11 =	vld [tilespmem:s30+$0x20];
	vm7 =	vlt.u32 v10, $0xC320;
	[tilespmem:s28+$0xFFFFFFE0] =	vst v6  }
0x191: {  	v6 =	vld [tilespmem:s30+$0xFFFFFFC0];
	vm6 =	vlt.u32 v5, $0xC320;
	v12 =	vadd.s32 $0xFFFF3C80, v13  }
0x192: {  	vm3 =	vlt.u32 v12, $0xC320;
	v8 =	vadd.s32 $0xFFFF3C80, v8;
	v13 =	vld [tilespmem:s28+$0xFFFFFFF0]  }
0x193: {  	vm4 =	vlt.u32 v8, $0xC320;
	v9 =	vadd.s32 $0xFFFF3C80, v9;
	v14 =	vld [tilespmem:s28+$0x0]  }
0x194: {  	vm5 =	vlt.u32 v9, $0xC320;
	v7 =	vadd.s32 $0xFFFF3C80, v7;
	v15 =	vld [tilespmem:s28+$0x10]  }
0x195: {  	vm0 =	vlt.u32 v7, $0xC320;
	v11 =	vadd.s32 $0xFFFF3C80, v11;
	v16 =	vld [tilespmem:s28+$0x20]  }
0x196: {  	v6 =	vadd.s32 $0xFFFF3C80, v6;
	vm1 =	vlt.u32 v11, $0xC320;
	v10 =	vld.idx.msk [tilespmem:v10+s18+$0x0], vm7  }
0x197: {  	s28 =	sadd.s32 $0x80, s28;
	vm2 =	vlt.u32 v6, $0xC320;
	v5 =	vld.idx.msk [tilespmem:v5+s18+$0x0], vm6;
	v2 =	vadd.f32 v2, v13  }
0x198: {  	v13 =	vld [tilespmem:s28+$0x30];
	v1 =	vadd.f32 v1, v14  }
0x199: {  	v12 =	vld.idx.msk [tilespmem:v12+s18+$0x0], vm3;
	[tilespmem:s29+$0xFFFFFFF0] =	vst v2;
	v2 =	vadd.f32 v3, v15  }
0x19a: {  	v14 =	vld.idx.msk [tilespmem:v8+s18+$0x0], vm4;
	[tilespmem:s29+$0x0] =	vst v1;
	v1 =	vadd.f32 v4, v16  }
0x19b: {  	v15 =	vld.idx.msk [tilespmem:v9+s18+$0x0], vm5;
	[tilespmem:s29+$0x10] =	vst v2  }
0x19c: {  	v2 =	vnsel vm7, $0x0, v10;
	v3 =	vld.idx.msk [tilespmem:v7+s18+$0x0], vm0;
	[tilespmem:s29+$0x20] =	vst v1;
	s29 =	smov.u32 s28  }
.Ltmp11:
0x19d: {  	v5 =	vnsel vm6, $0x0, v5;
	v7 =	vld.idx.msk [tilespmem:v6+s18+$0x0], vm2;
	v1 =	vadd.f32 v2, v13;
	(pc) =	sbr.rel @p2 .LBB2_26-.Ltmp11, $4  }
0x19e: {  	v4 =	vld.idx.msk [tilespmem:v11+s18+$0x0], vm1  }
0x19f: {  	v6 =	vnsel vm3, $0x0, v12;
	v8 =	vld [tilespmem:s28+$0xFFFFFFC0];
	[tilespmem:s28+$0x30] =	vst v1  }
0x1a0: {  	v2 =	vnsel vm4, $0x0, v14;
	v9 =	vld [tilespmem:s28+$0xFFFFFFD0]  }
0x1a1: {  	s30 =	sadd.s32 $0x100, s30;
	v1 =	vnsel vm5, $0x0, v15;
	v10 =	vld [tilespmem:s28+$0xFFFFFFE0]  }
0x1a2: {  	v11 =	vld [tilespmem:s28+$0xFFFFFFF0]  }
0x1a3: {  	v7 =	vnsel vm2, $0x0, v7;
	v12 =	vld [tilespmem:s28+$0x0]  }
0x1a4: {  	v62 =	vld [tilespmem:s28+$0x10];
	v7 =	vadd.f32 v7, v8  }
0x1a5: {  	v63 =	vld [tilespmem:s28+$0x20];
	v5 =	vadd.f32 v5, v9  }
0x1a6: {  	[tilespmem:s28+$0xFFFFFFC0] =	vst v7;
	v6 =	vadd.f32 v6, v10  }
0x1a7: {  	[tilespmem:s28+$0xFFFFFFD0] =	vst v5;
	v2 =	vadd.f32 v2, v11  }
0x1a8: {  	v3 =	vnsel vm0, $0x0, v3;
	v1 =	vadd.f32 v1, v12;
	[tilespmem:s28+$0xFFFFFFE0] =	vst v6  }
0x1a9: {  	v4 =	vnsel vm1, $0x0, v4;
	[tilespmem:s29+$0xFFFFFFF0] =	vst v2;
	v2 =	vadd.f32 v3, v62  }
0x1aa: {  	[tilespmem:s29+$0x0] =	vst v1;
	v1 =	vadd.f32 v4, v63  }
0x1ab: {  	[tilespmem:s29+$0x10] =	vst v2  }
0x1ac: {  	s0 =	simm.s32 $0x400;
	s12 =	sadd.s32 $0x0, s26;
	s13 =	simm.s32 $0x18700;
	[tilespmem:s29+$0x20] =	vst v1  }
.LBB2_28:
0x1ad: {  	[tilespmem:s13], [sflag:$0x3] =	stream.linear.gather [spmem:s12], $0x80, $0x38;
	[tilespmem:$0x1FF00] =	vst v63  }
0x1ae: {  	s12 =	smov.u32 s0;
	p2 =	sne.s32 s0, $0x7C00  }
.Ltmp12:
0x1af: {  	s0 =	sadd.s32 $0x400, s0;
	(pc) =	sbr.rel @p2 .LBB2_28-.Ltmp12, $3  }
0x1b0: {  	_ =	sdelay $0x1  }
0x1b1: {  	s13 =	sshra.s32 s12, $0x2  }
0x1b2: {  	s12 =	sadd.s32 s13, s26;
	s13 =	sadd.s32 $0x18700, s13  }
0x1b3: {  	[tilespmem:s13], [sflag:$0x3] =	stream.linear.gather [spmem:s12], $0x80, $0x38;
	[tilespmem:$0x1FF00] =	vst v63  }
0x1b4: {  	_ =	swait.ge [sflag:s20], $0x1000  }
0x1b5: {  	[sflag:s20] =	ssyncset.done $0x0  }
0x1b6: {  	s0 =	simm.s32 $0x187F0;
	[sflag:s20] =	ssyncadd.s32 $0xFFFFF000  }
0x1b7: {  	v1 =	vld [tilespmem:s0+$0x0]  }
0x1b8: {  	v2 =	vld [tilespmem:s0+$0xFFFFFFA0]  }
0x1b9: {  	v3 =	vld [tilespmem:s0+$0xFFFFFFB0]  }
0x1ba: {  	v4 =	vld [tilespmem:s0+$0xFFFFFFC0]  }
0x1bb: {  	v5 =	vld [tilespmem:s0+$0xFFFFFFD0]  }
0x1bc: {  	v6 =	vld [tilespmem:s0+$0xFFFFFFE0];
	v1 =	vadd.s32 $0xFFFF3C80, v1  }
0x1bd: {  	v7 =	vld [tilespmem:s0+$0xFFFFFF90];
	v2 =	vadd.s32 $0xFFFF3C80, v2;
	vm3 =	vlt.u32 v1, $0xC320  }
0x1be: {  	v8 =	vld [tilespmem:s0+$0xFFFFFFF0];
	v3 =	vadd.s32 $0xFFFF3C80, v3;
	vm4 =	vlt.u32 v2, $0xC320  }
0x1bf: {  	v4 =	vadd.s32 $0xFFFF3C80, v4;
	vm5 =	vlt.u32 v3, $0xC320  }
0x1c0: {  	v5 =	vadd.s32 $0xFFFF3C80, v5;
	vm6 =	vlt.u32 v4, $0xC320  }
0x1c1: {  	s26 =	simm.s32 $0x1B770;
	v6 =	vadd.s32 $0xFFFF3C80, v6;
	vm7 =	vlt.u32 v5, $0xC320  }
0x1c2: {  	v9 =	vld [tilespmem:s26+$0x0];
	v7 =	vadd.s32 $0xFFFF3C80, v7;
	vm0 =	vlt.u32 v6, $0xC320  }
0x1c3: {  	v8 =	vadd.s32 $0xFFFF3C80, v8;
	vm2 =	vlt.u32 v7, $0xC320;
	v1 =	vld.idx.msk [tilespmem:v1+s18+$0x0], vm3  }
0x1c4: {  	vm1 =	vlt.u32 v8, $0xC320;
	v2 =	vld.idx.msk [tilespmem:v2+s18+$0x0], vm4  }
0x1c5: {  	v10 =	vld.idx.msk [tilespmem:v3+s18+$0x0], vm5  }
0x1c6: {  	v11 =	vld.idx.msk [tilespmem:v4+s18+$0x0], vm6  }
0x1c7: {  	v12 =	vld.idx.msk [tilespmem:v5+s18+$0x0], vm7  }
0x1c8: {  	v3 =	vld.idx.msk [tilespmem:v6+s18+$0x0], vm0  }
0x1c9: {  	v7 =	vld.idx.msk [tilespmem:v7+s18+$0x0], vm2  }
0x1ca: {  	v4 =	vld.idx.msk [tilespmem:v8+s18+$0x0], vm1;
	v1 =	vnsel vm3, $0x0, v1  }
0x1cb: {  	v8 =	vld [tilespmem:s26+$0xFFFFFF90];
	v1 =	vadd.f32 v1, v9  }
0x1cc: {  	v5 =	vnsel vm4, $0x0, v2;
	v9 =	vld [tilespmem:s26+$0xFFFFFFA0]  }
0x1cd: {  	s29 =	simm.s32 $0x188F0;
	s28 =	simm.s32 $0x1B770;
	s0 =	simm.s32 $0x0;
	v6 =	vnsel vm5, $0x0, v10;
	v2 =	vnsel vm6, $0x0, v11;
	v10 =	vld [tilespmem:s26+$0xFFFFFFB0];
	[tilespmem:s26+$0x0] =	vst v1;
	v1 =	vnsel vm7, $0x0, v12  }
.LBB2_30:
0x1ce: {  	v11 =	vld [tilespmem:s29+$0x0];
	s0 =	sadd.s32 $0x8, s0;
	v3 =	vnsel vm0, $0x0, v3  }
0x1cf: {  	v7 =	vnsel vm2, $0x0, v7;
	v12 =	vld [tilespmem:s29+$0xFFFFFFA0];
	p2 =	slt.u32 s0, $0xF8  }
0x1d0: {  	v4 =	vnsel vm1, $0x0, v4;
	v13 =	vld [tilespmem:s29+$0xFFFFFFB0];
	v7 =	vadd.f32 v7, v8  }
0x1d1: {  	v8 =	vld [tilespmem:s29+$0xFFFFFFC0];
	v5 =	vadd.f32 v5, v9  }
0x1d2: {  	v9 =	vld [tilespmem:s29+$0xFFFFFFD0];
	[tilespmem:s26+$0xFFFFFF90] =	vst v7;
	v6 =	vadd.f32 v6, v10  }
0x1d3: {  	v7 =	vld [tilespmem:s29+$0xFFFFFFE0];
	v10 =	vadd.s32 $0xFFFF3C80, v11;
	[tilespmem:s26+$0xFFFFFFA0] =	vst v5  }
0x1d4: {  	v5 =	vadd.s32 $0xFFFF3C80, v12;
	v11 =	vld [tilespmem:s29+$0xFFFFFFF0];
	vm7 =	vlt.u32 v10, $0xC320;
	[tilespmem:s26+$0xFFFFFFB0] =	vst v6  }
0x1d5: {  	v6 =	vld [tilespmem:s29+$0xFFFFFF90];
	vm6 =	vlt.u32 v5, $0xC320;
	v12 =	vadd.s32 $0xFFFF3C80, v13  }
0x1d6: {  	vm3 =	vlt.u32 v12, $0xC320;
	v8 =	vadd.s32 $0xFFFF3C80, v8;
	v13 =	vld [tilespmem:s26+$0xFFFFFFC0]  }
0x1d7: {  	vm4 =	vlt.u32 v8, $0xC320;
	v9 =	vadd.s32 $0xFFFF3C80, v9;
	v14 =	vld [tilespmem:s26+$0xFFFFFFD0]  }
0x1d8: {  	vm5 =	vlt.u32 v9, $0xC320;
	v7 =	vadd.s32 $0xFFFF3C80, v7;
	v15 =	vld [tilespmem:s26+$0xFFFFFFE0]  }
0x1d9: {  	vm0 =	vlt.u32 v7, $0xC320;
	v11 =	vadd.s32 $0xFFFF3C80, v11;
	v16 =	vld [tilespmem:s26+$0xFFFFFFF0]  }
0x1da: {  	v6 =	vadd.s32 $0xFFFF3C80, v6;
	vm1 =	vlt.u32 v11, $0xC320;
	v10 =	vld.idx.msk [tilespmem:v10+s18+$0x0], vm7  }
0x1db: {  	s26 =	sadd.s32 $0x80, s26;
	vm2 =	vlt.u32 v6, $0xC320;
	v5 =	vld.idx.msk [tilespmem:v5+s18+$0x0], vm6;
	v2 =	vadd.f32 v2, v13  }
0x1dc: {  	v13 =	vld [tilespmem:s26+$0x0];
	v1 =	vadd.f32 v1, v14  }
0x1dd: {  	v12 =	vld.idx.msk [tilespmem:v12+s18+$0x0], vm3;
	[tilespmem:s28+$0xFFFFFFC0] =	vst v2;
	v2 =	vadd.f32 v3, v15  }
0x1de: {  	v14 =	vld.idx.msk [tilespmem:v8+s18+$0x0], vm4;
	[tilespmem:s28+$0xFFFFFFD0] =	vst v1;
	v1 =	vadd.f32 v4, v16  }
0x1df: {  	v15 =	vld.idx.msk [tilespmem:v9+s18+$0x0], vm5;
	[tilespmem:s28+$0xFFFFFFE0] =	vst v2  }
0x1e0: {  	v2 =	vnsel vm7, $0x0, v10;
	v3 =	vld.idx.msk [tilespmem:v7+s18+$0x0], vm0;
	[tilespmem:s28+$0xFFFFFFF0] =	vst v1;
	s28 =	smov.u32 s26  }
.Ltmp13:
0x1e1: {  	v5 =	vnsel vm6, $0x0, v5;
	v7 =	vld.idx.msk [tilespmem:v6+s18+$0x0], vm2;
	v1 =	vadd.f32 v2, v13;
	(pc) =	sbr.rel @p2 .LBB2_30-.Ltmp13, $4  }
0x1e2: {  	v4 =	vld.idx.msk [tilespmem:v11+s18+$0x0], vm1  }
0x1e3: {  	v6 =	vnsel vm3, $0x0, v12;
	v8 =	vld [tilespmem:s26+$0xFFFFFF90];
	[tilespmem:s26+$0x0] =	vst v1  }
0x1e4: {  	v2 =	vnsel vm4, $0x0, v14;
	v9 =	vld [tilespmem:s26+$0xFFFFFFA0]  }
0x1e5: {  	s29 =	sadd.s32 $0x100, s29;
	v1 =	vnsel vm5, $0x0, v15;
	v10 =	vld [tilespmem:s26+$0xFFFFFFB0]  }
0x1e6: {  	v11 =	vld [tilespmem:s26+$0xFFFFFFC0]  }
0x1e7: {  	v7 =	vnsel vm2, $0x0, v7;
	v12 =	vld [tilespmem:s26+$0xFFFFFFD0]  }
0x1e8: {  	v62 =	vld [tilespmem:s26+$0xFFFFFFE0];
	v7 =	vadd.f32 v7, v8  }
0x1e9: {  	v63 =	vld [tilespmem:s26+$0xFFFFFFF0];
	v5 =	vadd.f32 v5, v9  }
0x1ea: {  	[tilespmem:s26+$0xFFFFFF90] =	vst v7;
	v6 =	vadd.f32 v6, v10  }
0x1eb: {  	[tilespmem:s26+$0xFFFFFFA0] =	vst v5;
	v2 =	vadd.f32 v2, v11  }
0x1ec: {  	v3 =	vnsel vm0, $0x0, v3;
	v1 =	vadd.f32 v1, v12;
	[tilespmem:s26+$0xFFFFFFB0] =	vst v6  }
0x1ed: {  	v4 =	vnsel vm1, $0x0, v4;
	[tilespmem:s28+$0xFFFFFFC0] =	vst v2;
	v2 =	vadd.f32 v3, v62  }
0x1ee: {  	[tilespmem:s28+$0xFFFFFFD0] =	vst v1;
	v1 =	vadd.f32 v4, v63  }
0x1ef: {  	[tilespmem:s28+$0xFFFFFFE0] =	vst v2  }
0x1f0: {  	s0 =	simm.s32 $0x400;
	s12 =	sadd.s32 $0x0, s25;
	s13 =	simm.s32 $0x18780;
	[tilespmem:s28+$0xFFFFFFF0] =	vst v1  }
.LBB2_32:
0x1f1: {  	[tilespmem:s13], [sflag:$0x3] =	stream.linear.gather [spmem:s12], $0x80, $0x38;
	[tilespmem:$0x1FF00] =	vst v63  }
0x1f2: {  	s12 =	smov.u32 s0;
	p2 =	sne.s32 s0, $0x7C00  }
.Ltmp14:
0x1f3: {  	s0 =	sadd.s32 $0x400, s0;
	(pc) =	sbr.rel @p2 .LBB2_32-.Ltmp14, $3  }
0x1f4: {  	_ =	sdelay $0x1  }
0x1f5: {  	s13 =	sshra.s32 s12, $0x2  }
0x1f6: {  	s12 =	sadd.s32 s13, s25;
	s13 =	sadd.s32 $0x18780, s13  }
0x1f7: {  	[tilespmem:s13], [sflag:$0x3] =	stream.linear.gather [spmem:s12], $0x80, $0x38;
	[tilespmem:$0x1FF00] =	vst v63  }
0x1f8: {  	_ =	swait.ge [sflag:s20], $0x1000  }
0x1f9: {  	[sflag:s20] =	ssyncset.done $0x0  }
0x1fa: {  	s0 =	simm.s32 $0x18740;
	[sflag:s20] =	ssyncadd.s32 $0xFFFFF000  }
0x1fb: {  	v1 =	vld [tilespmem:s0+$0x30]  }
0x1fc: {  	v2 =	vld [tilespmem:s0+$0xFFFFFFD0]  }
0x1fd: {  	v3 =	vld [tilespmem:s0+$0xFFFFFFE0]  }
0x1fe: {  	v4 =	vld [tilespmem:s0+$0xFFFFFFF0]  }
0x1ff: {  	v5 =	vld [tilespmem:s0+$0x0]  }
0x200: {  	v6 =	vld [tilespmem:s0+$0x10];
	v1 =	vadd.s32 $0xFFFF3C80, v1  }
0x201: {  	v7 =	vld [tilespmem:s0+$0xFFFFFFC0];
	v2 =	vadd.s32 $0xFFFF3C80, v2;
	vm3 =	vlt.u32 v1, $0xC320  }
0x202: {  	v8 =	vld [tilespmem:s0+$0x20];
	v3 =	vadd.s32 $0xFFFF3C80, v3;
	vm4 =	vlt.u32 v2, $0xC320  }
0x203: {  	v4 =	vadd.s32 $0xFFFF3C80, v4;
	vm5 =	vlt.u32 v3, $0xC320  }
0x204: {  	v5 =	vadd.s32 $0xFFFF3C80, v5;
	vm6 =	vlt.u32 v4, $0xC320  }
0x205: {  	s25 =	simm.s32 $0x1C770;
	v6 =	vadd.s32 $0xFFFF3C80, v6;
	vm7 =	vlt.u32 v5, $0xC320  }
0x206: {  	v9 =	vld [tilespmem:s25+$0x0];
	v7 =	vadd.s32 $0xFFFF3C80, v7;
	vm0 =	vlt.u32 v6, $0xC320  }
0x207: {  	v8 =	vadd.s32 $0xFFFF3C80, v8;
	vm2 =	vlt.u32 v7, $0xC320;
	v1 =	vld.idx.msk [tilespmem:v1+s18+$0x0], vm3  }
0x208: {  	vm1 =	vlt.u32 v8, $0xC320;
	v2 =	vld.idx.msk [tilespmem:v2+s18+$0x0], vm4  }
0x209: {  	v10 =	vld.idx.msk [tilespmem:v3+s18+$0x0], vm5  }
0x20a: {  	v11 =	vld.idx.msk [tilespmem:v4+s18+$0x0], vm6  }
0x20b: {  	v12 =	vld.idx.msk [tilespmem:v5+s18+$0x0], vm7  }
0x20c: {  	v3 =	vld.idx.msk [tilespmem:v6+s18+$0x0], vm0  }
0x20d: {  	v7 =	vld.idx.msk [tilespmem:v7+s18+$0x0], vm2  }
0x20e: {  	v4 =	vld.idx.msk [tilespmem:v8+s18+$0x0], vm1;
	v1 =	vnsel vm3, $0x0, v1  }
0x20f: {  	v8 =	vld [tilespmem:s25+$0xFFFFFF90];
	v1 =	vadd.f32 v1, v9  }
0x210: {  	v5 =	vnsel vm4, $0x0, v2;
	v9 =	vld [tilespmem:s25+$0xFFFFFFA0]  }
0x211: {  	s28 =	simm.s32 $0x18840;
	s26 =	simm.s32 $0x1C770;
	s0 =	simm.s32 $0x0;
	v6 =	vnsel vm5, $0x0, v10;
	v2 =	vnsel vm6, $0x0, v11;
	v10 =	vld [tilespmem:s25+$0xFFFFFFB0];
	[tilespmem:s25+$0x0] =	vst v1;
	v1 =	vnsel vm7, $0x0, v12  }
.LBB2_34:
0x212: {  	v11 =	vld [tilespmem:s28+$0x30];
	s0 =	sadd.s32 $0x8, s0;
	v3 =	vnsel vm0, $0x0, v3  }
0x213: {  	v7 =	vnsel vm2, $0x0, v7;
	v12 =	vld [tilespmem:s28+$0xFFFFFFD0];
	p2 =	slt.u32 s0, $0xF8  }
0x214: {  	v4 =	vnsel vm1, $0x0, v4;
	v13 =	vld [tilespmem:s28+$0xFFFFFFE0];
	v7 =	vadd.f32 v7, v8  }
0x215: {  	v8 =	vld [tilespmem:s28+$0xFFFFFFF0];
	v5 =	vadd.f32 v5, v9  }
0x216: {  	v9 =	vld [tilespmem:s28+$0x0];
	[tilespmem:s25+$0xFFFFFF90] =	vst v7;
	v6 =	vadd.f32 v6, v10  }
0x217: {  	v7 =	vld [tilespmem:s28+$0x10];
	v10 =	vadd.s32 $0xFFFF3C80, v11;
	[tilespmem:s25+$0xFFFFFFA0] =	vst v5  }
0x218: {  	v5 =	vadd.s32 $0xFFFF3C80, v12;
	v11 =	vld [tilespmem:s28+$0x20];
	vm7 =	vlt.u32 v10, $0xC320;
	[tilespmem:s25+$0xFFFFFFB0] =	vst v6  }
0x219: {  	v6 =	vld [tilespmem:s28+$0xFFFFFFC0];
	vm6 =	vlt.u32 v5, $0xC320;
	v12 =	vadd.s32 $0xFFFF3C80, v13  }
0x21a: {  	vm3 =	vlt.u32 v12, $0xC320;
	v8 =	vadd.s32 $0xFFFF3C80, v8;
	v13 =	vld [tilespmem:s25+$0xFFFFFFC0]  }
0x21b: {  	vm4 =	vlt.u32 v8, $0xC320;
	v9 =	vadd.s32 $0xFFFF3C80, v9;
	v14 =	vld [tilespmem:s25+$0xFFFFFFD0]  }
0x21c: {  	vm5 =	vlt.u32 v9, $0xC320;
	v7 =	vadd.s32 $0xFFFF3C80, v7;
	v15 =	vld [tilespmem:s25+$0xFFFFFFE0]  }
0x21d: {  	vm0 =	vlt.u32 v7, $0xC320;
	v11 =	vadd.s32 $0xFFFF3C80, v11;
	v16 =	vld [tilespmem:s25+$0xFFFFFFF0]  }
0x21e: {  	v6 =	vadd.s32 $0xFFFF3C80, v6;
	vm1 =	vlt.u32 v11, $0xC320;
	v10 =	vld.idx.msk [tilespmem:v10+s18+$0x0], vm7  }
0x21f: {  	s25 =	sadd.s32 $0x80, s25;
	vm2 =	vlt.u32 v6, $0xC320;
	v5 =	vld.idx.msk [tilespmem:v5+s18+$0x0], vm6;
	v2 =	vadd.f32 v2, v13  }
0x220: {  	v13 =	vld [tilespmem:s25+$0x0];
	v1 =	vadd.f32 v1, v14  }
0x221: {  	v12 =	vld.idx.msk [tilespmem:v12+s18+$0x0], vm3;
	[tilespmem:s26+$0xFFFFFFC0] =	vst v2;
	v2 =	vadd.f32 v3, v15  }
0x222: {  	v14 =	vld.idx.msk [tilespmem:v8+s18+$0x0], vm4;
	[tilespmem:s26+$0xFFFFFFD0] =	vst v1;
	v1 =	vadd.f32 v4, v16  }
0x223: {  	v15 =	vld.idx.msk [tilespmem:v9+s18+$0x0], vm5;
	[tilespmem:s26+$0xFFFFFFE0] =	vst v2  }
0x224: {  	v2 =	vnsel vm7, $0x0, v10;
	v3 =	vld.idx.msk [tilespmem:v7+s18+$0x0], vm0;
	[tilespmem:s26+$0xFFFFFFF0] =	vst v1;
	s26 =	smov.u32 s25  }
.Ltmp15:
0x225: {  	v5 =	vnsel vm6, $0x0, v5;
	v7 =	vld.idx.msk [tilespmem:v6+s18+$0x0], vm2;
	v1 =	vadd.f32 v2, v13;
	(pc) =	sbr.rel @p2 .LBB2_34-.Ltmp15, $4  }
0x226: {  	v4 =	vld.idx.msk [tilespmem:v11+s18+$0x0], vm1  }
0x227: {  	v6 =	vnsel vm3, $0x0, v12;
	v8 =	vld [tilespmem:s25+$0xFFFFFF90];
	[tilespmem:s25+$0x0] =	vst v1  }
0x228: {  	v2 =	vnsel vm4, $0x0, v14;
	v9 =	vld [tilespmem:s25+$0xFFFFFFA0]  }
0x229: {  	s28 =	sadd.s32 $0x100, s28;
	v1 =	vnsel vm5, $0x0, v15;
	v10 =	vld [tilespmem:s25+$0xFFFFFFB0]  }
0x22a: {  	v11 =	vld [tilespmem:s25+$0xFFFFFFC0]  }
0x22b: {  	v7 =	vnsel vm2, $0x0, v7;
	v12 =	vld [tilespmem:s25+$0xFFFFFFD0]  }
0x22c: {  	v7 =	vadd.f32 v7, v8;
	v8 =	vld [tilespmem:s25+$0xFFFFFFE0]  }
0x22d: {  	v5 =	vadd.f32 v5, v9;
	v9 =	vld [tilespmem:s25+$0xFFFFFFF0]  }
0x22e: {  	[tilespmem:s25+$0xFFFFFF90] =	vst v7;
	v6 =	vadd.f32 v6, v10  }
0x22f: {  	[tilespmem:s25+$0xFFFFFFA0] =	vst v5;
	v2 =	vadd.f32 v2, v11  }
0x230: {  	v3 =	vnsel vm0, $0x0, v3;
	v1 =	vadd.f32 v1, v12;
	[tilespmem:s25+$0xFFFFFFB0] =	vst v6  }
0x231: {  	v4 =	vnsel vm1, $0x0, v4;
	[tilespmem:s26+$0xFFFFFFC0] =	vst v2;
	v2 =	vadd.f32 v3, v8  }
0x232: {  	[tilespmem:s26+$0xFFFFFFD0] =	vst v1;
	v1 =	vadd.f32 v4, v9  }
0x233: {  	[tilespmem:s26+$0xFFFFFFE0] =	vst v2  }
0x234: {  	[tilespmem:s26+$0xFFFFFFF0] =	vst v1  }
0x235: {  	_ =	swait.ge [sflag:s20], $0x1000  }
0x236: {  	[sflag:s20] =	ssyncset.done $0x0  }
0x237: {  	s0 =	simm.s32 $0x187F0;
	[sflag:s20] =	ssyncadd.s32 $0xFFFFF000  }
0x238: {  	v1 =	vld [tilespmem:s0+$0x0]  }
0x239: {  	v2 =	vld [tilespmem:s0+$0xFFFFFFA0]  }
0x23a: {  	v3 =	vld [tilespmem:s0+$0xFFFFFFB0]  }
0x23b: {  	v4 =	vld [tilespmem:s0+$0xFFFFFFC0]  }
0x23c: {  	v5 =	vld [tilespmem:s0+$0xFFFFFFD0]  }
0x23d: {  	v6 =	vld [tilespmem:s0+$0xFFFFFFE0];
	v1 =	vadd.s32 $0xFFFF3C80, v1  }
0x23e: {  	v7 =	vld [tilespmem:s0+$0xFFFFFF90];
	v2 =	vadd.s32 $0xFFFF3C80, v2;
	vm3 =	vlt.u32 v1, $0xC320  }
0x23f: {  	v8 =	vld [tilespmem:s0+$0xFFFFFFF0];
	v3 =	vadd.s32 $0xFFFF3C80, v3;
	vm4 =	vlt.u32 v2, $0xC320  }
0x240: {  	v4 =	vadd.s32 $0xFFFF3C80, v4;
	vm5 =	vlt.u32 v3, $0xC320  }
0x241: {  	v5 =	vadd.s32 $0xFFFF3C80, v5;
	vm6 =	vlt.u32 v4, $0xC320  }
0x242: {  	s25 =	simm.s32 $0x1D770;
	v6 =	vadd.s32 $0xFFFF3C80, v6;
	vm7 =	vlt.u32 v5, $0xC320  }
0x243: {  	v9 =	vld [tilespmem:s25+$0x0];
	v7 =	vadd.s32 $0xFFFF3C80, v7;
	vm0 =	vlt.u32 v6, $0xC320  }
0x244: {  	v8 =	vadd.s32 $0xFFFF3C80, v8;
	vm2 =	vlt.u32 v7, $0xC320;
	v1 =	vld.idx.msk [tilespmem:v1+s18+$0x0], vm3  }
0x245: {  	vm1 =	vlt.u32 v8, $0xC320;
	v2 =	vld.idx.msk [tilespmem:v2+s18+$0x0], vm4  }
0x246: {  	v10 =	vld.idx.msk [tilespmem:v3+s18+$0x0], vm5  }
0x247: {  	v11 =	vld.idx.msk [tilespmem:v4+s18+$0x0], vm6  }
0x248: {  	v63 =	vld.idx.msk [tilespmem:v5+s18+$0x0], vm7  }
0x249: {  	v3 =	vld.idx.msk [tilespmem:v6+s18+$0x0], vm0  }
0x24a: {  	v7 =	vld.idx.msk [tilespmem:v7+s18+$0x0], vm2  }
0x24b: {  	v4 =	vld.idx.msk [tilespmem:v8+s18+$0x0], vm1;
	v1 =	vnsel vm3, $0x0, v1  }
0x24c: {  	v8 =	vld [tilespmem:s25+$0xFFFFFF90];
	v1 =	vadd.f32 v1, v9  }
0x24d: {  	v5 =	vnsel vm4, $0x0, v2;
	v9 =	vld [tilespmem:s25+$0xFFFFFFA0]  }
0x24e: {  	s28 =	simm.s32 $0x188F0;
	s26 =	simm.s32 $0x1D770;
	s0 =	simm.s32 $0x0;
	v6 =	vnsel vm5, $0x0, v10;
	v2 =	vnsel vm6, $0x0, v11;
	v10 =	vld [tilespmem:s25+$0xFFFFFFB0];
	[tilespmem:s25+$0x0] =	vst v1;
	v1 =	vnsel vm7, $0x0, v63  }
.LBB2_36:
0x24f: {  	v11 =	vld [tilespmem:s28+$0x0];
	s0 =	sadd.s32 $0x8, s0;
	v3 =	vnsel vm0, $0x0, v3  }
0x250: {  	v7 =	vnsel vm2, $0x0, v7;
	v12 =	vld [tilespmem:s28+$0xFFFFFFA0];
	p2 =	slt.u32 s0, $0xF8  }
0x251: {  	v4 =	vnsel vm1, $0x0, v4;
	v13 =	vld [tilespmem:s28+$0xFFFFFFB0];
	v7 =	vadd.f32 v7, v8  }
0x252: {  	v8 =	vld [tilespmem:s28+$0xFFFFFFC0];
	v5 =	vadd.f32 v5, v9  }
0x253: {  	v9 =	vld [tilespmem:s28+$0xFFFFFFD0];
	[tilespmem:s25+$0xFFFFFF90] =	vst v7;
	v6 =	vadd.f32 v6, v10  }
0x254: {  	v7 =	vld [tilespmem:s28+$0xFFFFFFE0];
	v10 =	vadd.s32 $0xFFFF3C80, v11;
	[tilespmem:s25+$0xFFFFFFA0] =	vst v5  }
0x255: {  	v5 =	vadd.s32 $0xFFFF3C80, v12;
	v11 =	vld [tilespmem:s28+$0xFFFFFFF0];
	vm7 =	vlt.u32 v10, $0xC320;
	[tilespmem:s25+$0xFFFFFFB0] =	vst v6  }
0x256: {  	v6 =	vld [tilespmem:s28+$0xFFFFFF90];
	vm6 =	vlt.u32 v5, $0xC320;
	v12 =	vadd.s32 $0xFFFF3C80, v13  }
0x257: {  	vm3 =	vlt.u32 v12, $0xC320;
	v8 =	vadd.s32 $0xFFFF3C80, v8;
	v13 =	vld [tilespmem:s25+$0xFFFFFFC0]  }
0x258: {  	vm4 =	vlt.u32 v8, $0xC320;
	v9 =	vadd.s32 $0xFFFF3C80, v9;
	v14 =	vld [tilespmem:s25+$0xFFFFFFD0]  }
0x259: {  	vm5 =	vlt.u32 v9, $0xC320;
	v7 =	vadd.s32 $0xFFFF3C80, v7;
	v15 =	vld [tilespmem:s25+$0xFFFFFFE0]  }
0x25a: {  	vm0 =	vlt.u32 v7, $0xC320;
	v11 =	vadd.s32 $0xFFFF3C80, v11;
	v16 =	vld [tilespmem:s25+$0xFFFFFFF0]  }
0x25b: {  	v6 =	vadd.s32 $0xFFFF3C80, v6;
	vm1 =	vlt.u32 v11, $0xC320;
	v10 =	vld.idx.msk [tilespmem:v10+s18+$0x0], vm7  }
0x25c: {  	s25 =	sadd.s32 $0x80, s25;
	vm2 =	vlt.u32 v6, $0xC320;
	v5 =	vld.idx.msk [tilespmem:v5+s18+$0x0], vm6;
	v2 =	vadd.f32 v2, v13  }
0x25d: {  	v13 =	vld [tilespmem:s25+$0x0];
	v1 =	vadd.f32 v1, v14  }
0x25e: {  	v12 =	vld.idx.msk [tilespmem:v12+s18+$0x0], vm3;
	[tilespmem:s26+$0xFFFFFFC0] =	vst v2;
	v2 =	vadd.f32 v3, v15  }
0x25f: {  	v14 =	vld.idx.msk [tilespmem:v8+s18+$0x0], vm4;
	[tilespmem:s26+$0xFFFFFFD0] =	vst v1;
	v1 =	vadd.f32 v4, v16  }
0x260: {  	v15 =	vld.idx.msk [tilespmem:v9+s18+$0x0], vm5;
	[tilespmem:s26+$0xFFFFFFE0] =	vst v2  }
0x261: {  	v2 =	vnsel vm7, $0x0, v10;
	v3 =	vld.idx.msk [tilespmem:v7+s18+$0x0], vm0;
	[tilespmem:s26+$0xFFFFFFF0] =	vst v1;
	s26 =	smov.u32 s25  }
.Ltmp16:
0x262: {  	v5 =	vnsel vm6, $0x0, v5;
	v7 =	vld.idx.msk [tilespmem:v6+s18+$0x0], vm2;
	v1 =	vadd.f32 v2, v13;
	(pc) =	sbr.rel @p2 .LBB2_36-.Ltmp16, $4  }
0x263: {  	v4 =	vld.idx.msk [tilespmem:v11+s18+$0x0], vm1  }
0x264: {  	v6 =	vnsel vm3, $0x0, v12;
	v8 =	vld [tilespmem:s25+$0xFFFFFF90];
	[tilespmem:s25+$0x0] =	vst v1  }
0x265: {  	v2 =	vnsel vm4, $0x0, v14;
	v9 =	vld [tilespmem:s25+$0xFFFFFFA0]  }
0x266: {  	s28 =	sadd.s32 $0x100, s28;
	v1 =	vnsel vm5, $0x0, v15;
	v10 =	vld [tilespmem:s25+$0xFFFFFFB0]  }
0x267: {  	v11 =	vld [tilespmem:s25+$0xFFFFFFC0]  }
0x268: {  	v7 =	vnsel vm2, $0x0, v7;
	v12 =	vld [tilespmem:s25+$0xFFFFFFD0]  }
0x269: {  	v62 =	vld [tilespmem:s25+$0xFFFFFFE0];
	v7 =	vadd.f32 v7, v8  }
0x26a: {  	v63 =	vld [tilespmem:s25+$0xFFFFFFF0];
	v5 =	vadd.f32 v5, v9  }
0x26b: {  	[tilespmem:s25+$0xFFFFFF90] =	vst v7;
	v6 =	vadd.f32 v6, v10  }
0x26c: {  	[tilespmem:s25+$0xFFFFFFA0] =	vst v5;
	v2 =	vadd.f32 v2, v11  }
0x26d: {  	v3 =	vnsel vm0, $0x0, v3;
	v1 =	vadd.f32 v1, v12;
	[tilespmem:s25+$0xFFFFFFB0] =	vst v6  }
0x26e: {  	v4 =	vnsel vm1, $0x0, v4;
	[tilespmem:s26+$0xFFFFFFC0] =	vst v2;
	v2 =	vadd.f32 v3, v62  }
0x26f: {  	[tilespmem:s26+$0xFFFFFFD0] =	vst v1;
	v1 =	vadd.f32 v4, v63  }
0x270: {  	[tilespmem:s26+$0xFFFFFFE0] =	vst v2  }
0x271: {  	[tilespmem:s26+$0xFFFFFFF0] =	vst v1  }
0x272: {  	p2 =	sgt.u32 s24, $0x19  }
.Ltmp17:
0x273: {  	_ = 	snop;
	(pc) =	sbr.rel @!p2 .LBB2_5-.Ltmp17, $1  }
0x274: {  	_ =	sdelay $0x3  }
0x275: {  	s23 =	sadd.s32 $0x1, s23  }
0x276: {  	p2 =	sne.s32 s23, s9  }
.Ltmp18:
0x277: {  	_ = 	snop;
	(pc) =	sbr.rel @p2 .LBB2_1-.Ltmp18, $4  }
0x278: {  	[hbm4b:s8+s17] =	stream.strided.scatter [tilespmem:s22], [sflag:$0x5], $0x4000, s11, s17, $0x38;
	[tilespmem:$0x1FF00] =	vst v63  }
0x279: {  	_ =	swait.ge [sflag:s16], $0x4000  }
0x27a: {  	[sflag:s16] =	ssyncset.done $0x0  }
0x27b: {  	[sflag:s16] =	ssyncadd.s32 $0xFFFFC000  }
0x27c: {  	_ =	sfence.sel $0x180000  }
0x27d: {  	[bflag:$0x0] =	sbarrier.arrive $0xFFFF  }
0x27e: {  	_ =	strace $0x90000047  }
0x27f: {  	[bflag:$0x2] =	sbarrier.arrive $0xFFFF  }
0x280: {  	s0 =	rddreg [dreg:$0x5]  }
0x281: {  	s0 =	sadd.s32 @!p0 $0x100000, s0  }
0x282: {  	[sflag:s0] =	ssyncadd.tile.s32 @!p0 $0x1;
	_ =	shalt  }
.Lfunc_end2:
_tile_overlayer_lowered:
.L_overlay_start_2:
0x283: {  	(tag) =	ssettag $0x2  }
0x284: {  	s0 =	rddreg [dreg:$0x0];
	s2 =	stileid.u32  }
0x285: {  	s1 =	rddreg [dreg:$0x1];
	p0 =	sne.s32 s2, $0x0  }
0x286: {  	s3 =	rddreg [dreg:$0x2];
	[bflag:$0x3] =	sbarrier.arrive $0xFFFF;
	s2 =	simm.s32 @!p0 $0x1C05  }
0x287: {  	[timem:s3], [sflag:s2] =	dma.local @!p0 [hbm:s0], s1  }
0x288: {  	s0 =	simm.s32 @!p0 $0x5  }
0x289: {  	_ =	swait.ge @!p0 [sflag:s0], s1  }
0x28a: {  	s1 =	ssub.s32 @!p0 $0x0, s1;
	[sflag:s0] =	ssyncset.done @!p0 $0x0  }
0x28b: {  	[sflag:s0] =	ssyncadd.s32 @!p0 s1  }
0x28c: {  	[bflag:$0x3] =	sbarrier.arrive $0xFFFF  }
0x28d: {  	_ =	shalt  }

</sc_bundles>
